<compile_context>
chip_gen: v7x
topology: tpu7x:2x2x1
jax: 0.10.2.dev20260603
libtpu: 0.0.44.dev20260713+nightly
codegen_flags: <defaults>
</compile_context>

<pallas_src>
import functools

import jax
import jax.numpy as jnp
from jax import lax
from jax.experimental import pallas as pl
from jax.experimental.pallas import tpu as pltpu
from jax.experimental.pallas import tpu_sc as plsc

_C = 256
_D = 32
_M = 4
_N = 1000000
_MOM = 0.9

_NC = 2
_NS = 16
_L = 16
_NW = _NC * _NS
_SEG = _M * _C

_CH = 2000
_GPC = _CH // _L
_NCHTOT = _N // _CH
_CPT = (_NCHTOT + _NW - 1) // _NW
_ZR = 128


def _sc_body(ft_hbm, lab_hbm, dom_hbm, sum_hbm, cnt_hbm,
             feat_v, lab_v, dom_v, idx_v, cnt_v, zero_v, shared, sem):
    core = lax.axis_index("c")
    sid = lax.axis_index("s")
    wid = sid * _NC + core
    iota = lax.iota(jnp.int32, _L)
    zf = jnp.zeros((_L,), jnp.float32)
    ones = jnp.ones((_L,), jnp.float32)

    def zcnt(s, _):
        cnt_v[pl.ds(s * _L, _L)] = zf
        return ()

    lax.fori_loop(0, _SEG // _L, zcnt, (), unroll=8)

    @pl.when(sid == 0)
    def _():
        def zrow(r, _):
            zero_v[r, pl.ds(0, _L)] = zf
            zero_v[r, pl.ds(_L, _L)] = zf
            return ()

        lax.fori_loop(0, _ZR, zrow, (), unroll=8)

        def zshared(b, _):
            pltpu.sync_copy(zero_v, shared.at[pl.ds(b * _ZR, _ZR), :])
            return ()

        lax.fori_loop(0, _SEG // _ZR, zshared, ())

    plsc.subcore_barrier()

    def gbody(g, _):
        labv = lab_v[pl.ds(g * _L, _L)]
        domv = dom_v[pl.ds(g * _L, _L)]
        segv = domv * _C + labv
        idx_v[pl.ds(g * _L, _L)] = segv
        plsc.addupdate_scatter(cnt_v, [segv], ones)
        return ()

    def cbody(cl, _):
        cid = wid + _NW * cl

        @pl.when(cid < _NCHTOT)
        def _():
            c0 = cid * _CH
            pltpu.async_copy(ft_hbm.at[pl.ds(c0, _CH), :], feat_v,
                             sem).wait()
            pltpu.sync_copy(lab_hbm.at[pl.ds(c0, _CH)], lab_v)
            pltpu.sync_copy(dom_hbm.at[pl.ds(c0, _CH)], dom_v)
            lax.fori_loop(0, _GPC, gbody, ())
            pltpu.sync_copy(feat_v, shared.at[idx_v], add=True)

        return ()

    lax.fori_loop(0, _CPT, cbody, ())
    plsc.subcore_barrier()

    @pl.when(sid == 0)
    def _():
        pltpu.sync_copy(shared, sum_hbm.at[core])

    pltpu.sync_copy(cnt_v, cnt_hbm.at[wid])


_sc_partials = functools.partial(
    pl.kernel,
    out_type=(
        jax.ShapeDtypeStruct((_NC, _SEG, _D), jnp.float32),
        jax.ShapeDtypeStruct((_NW, _SEG), jnp.float32),
    ),
    mesh=plsc.VectorSubcoreMesh(core_axis_name="c", subcore_axis_name="s"),
    compiler_params=pltpu.CompilerParams(
        needs_layout_passes=False,
        use_tc_tiling_on_sc=False,
    ),
    scratch_types=[
        pltpu.VMEM((_CH, _D), jnp.float32),
        pltpu.VMEM((_CH,), jnp.int32),
        pltpu.VMEM((_CH,), jnp.int32),
        pltpu.VMEM((_CH,), jnp.int32),
        pltpu.VMEM((_SEG,), jnp.float32),
        pltpu.VMEM((_ZR, _D), jnp.float32),
        pltpu.VMEM_SHARED((_SEG, _D), jnp.float32),
        pltpu.SemaphoreType.DMA,
    ],
)(_sc_body)


_TPR = 128 // _D
_NR = _N // _TPR
_BR = 5000
_NBLK = _NR // _BR


def _s2_body(fv_ref, d4_ref, out_ref):
    i = pl.program_id(0)
    vb = fv_ref[...].astype(jnp.bfloat16)
    d4 = d4_ref[...]
    h1 = (1 - 2 * (d4 & 1)).astype(jnp.bfloat16)
    h2 = (1 - 2 * (d4 >> 1)).astype(jnp.bfloat16)
    h3 = h1 * h2
    r_i = lax.broadcasted_iota(jnp.int32, (_TPR, 128), 0)
    c_i = lax.broadcasted_iota(jnp.int32, (_TPR, 128), 1)
    rep = (c_i // _D == r_i).astype(jnp.bfloat16)
    dn = (((1,), (0,)), ((), ()))
    w1 = vb * lax.dot_general(
        h1, rep, dn, preferred_element_type=jnp.float32).astype(jnp.bfloat16)
    w2 = vb * lax.dot_general(
        h2, rep, dn, preferred_element_type=jnp.float32).astype(jnp.bfloat16)
    w3 = vb * lax.dot_general(
        h3, rep, dn, preferred_element_type=jnp.float32).astype(jnp.bfloat16)
    dc = (((0,), (0,)), ((), ()))
    p0 = lax.dot_general(vb, vb, dc, preferred_element_type=jnp.float32)
    p1 = lax.dot_general(w1, vb, dc, preferred_element_type=jnp.float32)
    p2 = lax.dot_general(w2, vb, dc, preferred_element_type=jnp.float32)
    p3 = lax.dot_general(w3, vb, dc, preferred_element_type=jnp.float32)
    part = jnp.concatenate([p0, p1, p2, p3], axis=0)

    @pl.when(i == 0)
    def _():
        out_ref[...] = jnp.zeros_like(out_ref)

    out_ref[...] += part


def _s2_call(fv, d4):
    return pl.pallas_call(
        _s2_body,
        grid=(_NBLK,),
        in_specs=[
            pl.BlockSpec((_BR, 128), lambda i: (i, 0)),
            pl.BlockSpec((_BR, _TPR), lambda i: (i, 0)),
        ],
        out_specs=pl.BlockSpec((4 * 128, 128), lambda i: (0, 0)),
        out_shape=jax.ShapeDtypeStruct((4 * 128, 128), jnp.float32),
        compiler_params=pltpu.CompilerParams(
            dimension_semantics=("arbitrary",),
        ),
    )(fv, d4)


def _final_body(sum_ref, cnt_ref, t_ref, out_ref):
    sums2 = sum_ref[...]
    sums = (sums2[:_SEG, :] + sums2[_SEG:, :]).reshape(_M, _C, _D)
    cnt32 = cnt_ref[...].T
    cnts = jnp.sum(cnt32, axis=1).reshape(_M, _C)
    t = t_ref[...]
    tt = []
    for h in range(4):
        acc = jnp.zeros((_D, _D), jnp.float32)
        for a in range(_TPR):
            acc = acc + t[128 * h + _D * a:128 * h + _D * (a + 1),
                          _D * a:_D * (a + 1)]
        tt.append(acc)
    t0, t1, t2, t3 = tt

    present = cnts > 0.0
    mu_dc = jnp.where(present[..., None],
                      sums / jnp.maximum(cnts, 1.0)[..., None], 0.0)
    anchors_dc = jnp.where(present[..., None], (1.0 - _MOM) * mu_dc, 0.0)

    anchor_global = jnp.zeros((_C, _D), jnp.float32)
    for d in range(_M):
        upd = _MOM * anchor_global + (1.0 - _MOM) * mu_dc[d]
        anchor_global = jnp.where(present[d][:, None], upd, anchor_global)
    counts_global = cnts.sum(axis=0)

    total = sums.sum(axis=0).sum(axis=0)
    nf = jnp.float32(_N)
    mu = total / nf
    cov = (t0 - nf * mu[:, None] * mu[None, :]) / (nf + 1e-06)
    gm = (1.0 - _MOM) * mu
    r_i = lax.broadcasted_iota(jnp.int32, (_D, _D), 0)
    c_i = lax.broadcasted_iota(jnp.int32, (_D, _D), 1)
    eye = (r_i == c_i).astype(jnp.float32)
    gc = _MOM * eye + (1.0 - _MOM) * cov

    valid = present & (counts_global > 0.0)[None, :]
    per = ((anchors_dc - anchor_global[None]) ** 2).mean(axis=-1)
    nvalid = valid.sum()
    caa = jnp.where(
        nvalid > 0,
        jnp.where(valid, per, 0.0).sum()
        / jnp.maximum(nvalid, 1).astype(jnp.float32),
        0.0,
    )

    loss_s = jnp.float32(0.0)
    vs = jnp.float32(0.0)
    for d in range(_M):
        n_d = cnts[d].sum()
        sum_d = sums[d].sum(axis=0)
        mu_d = sum_d / jnp.maximum(n_d, 1.0)
        s1 = 1.0 - 2.0 * (d & 1)
        s2 = 1.0 - 2.0 * (d >> 1)
        s2_d = 0.25 * (t0 + s1 * t1 + s2 * t2 + (s1 * s2) * t3)
        cov_d = (s2_d - n_d * mu_d[:, None] * mu_d[None, :]) / (n_d + 1e-06)
        term = ((mu_d - gm) ** 2).mean() + ((cov_d - gc) ** 2).mean()
        ok = (n_d > 0).astype(jnp.float32)
        loss_s = loss_s + ok * term
        vs = vs + ok
    stats = jnp.where(vs > 0, loss_s / jnp.maximum(vs, 1.0), 0.0)

    out_ref[...] = jnp.full((1, 1), caa + stats, jnp.float32)


def _final_call(sums, cnts, t):
    return pl.pallas_call(
        _final_body,
        out_shape=jax.ShapeDtypeStruct((1, 1), jnp.float32),
    )(sums, cnts, t)


def kernel(feats, labels, domain_ids):
    sums, cnts = _sc_partials(feats, labels, domain_ids)
    t = _s2_call(feats.reshape(_NR, 128),
                 domain_ids.reshape(_NR, _TPR))
    out = _final_call(sums.reshape(_NC * _SEG, _D), cnts, t)
    return out.reshape(())

# --- scband reference (transcript-rebuilt; emitter-appended) ---
"""Pipeline reference for scband-model-25194278159056 (READ-ONLY COPY).

The authoritative reference and input builder live on the scoring server;
editing this copy changes nothing except your own understanding.
"""

import jax, jax.numpy as jnp
import numpy as np

C = 256
D = 32
M = 4
MOM = 0.9
N = 1000000

def setup_inputs(seed: int = 0):
    key = jax.random.key(seed)
    k1, k2, k3 = jax.random.split(key, 3)
    feats = jax.random.normal(k1, (N, D), dtype=jnp.float32)
    labels = jax.random.randint(k2, (N,), 0, C, dtype=jnp.int32)
    domain_ids = jax.random.randint(k3, (N,), 0, M, dtype=jnp.int32)
    return {"feats": feats, "labels": labels, "domain_ids": domain_ids}

def _forward(feats, labels, domain_ids):
    n = feats.shape[0]
    # AnchorBankCAA.update is @torch.no_grad() -> stop_gradient on the update path
    f_sg = jax.lax.stop_gradient(feats)
    seg = domain_ids * C + labels
    cnts = jax.ops.segment_sum(jnp.ones((n,), jnp.float32), seg, num_segments=M * C).reshape(M, C)
    sums = jax.ops.segment_sum(f_sg, seg, num_segments=M * C).reshape(M, C, D)
    present = cnts > 0
    mu_dc = jnp.where(present[..., None], sums / jnp.maximum(cnts, 1.0)[..., None], 0.0)
    # buffers start at zero; one EMA step: anchors_dc[d,c] = (1-m)*mu_dc where present
    anchors_dc = jnp.where(present[..., None], (1.0 - MOM) * mu_dc, 0.0)
    counts_dc = cnts
    # anchor_global is sequentially EMA-updated over domains d = 0..M-1 (order matters)
    anchor_global = jnp.zeros((C, D), jnp.float32)
    for d in range(M):
        upd = MOM * anchor_global + (1.0 - MOM) * mu_dc[d]
        anchor_global = jnp.where(present[d][:, None], upd, anchor_global)
    counts_global = cnts.sum(axis=0)
    # global stats EMA (from zeros / identity)
    mu = f_sg.mean(axis=0)
    xc = f_sg - mu
    cov = xc.T @ xc / (n + 1e-06)
    global_mean = (1.0 - MOM) * mu
    global_cov = MOM * jnp.eye(D, dtype=jnp.float32) + (1.0 - MOM) * cov
    # caa_loss: sum over valid (d,c) of mean_D(||mu_c^d - mu_c_bar||^2) / valid
    valid = present & (counts_global > 0)[None, :]
    per = ((anchors_dc - anchor_global[None]) ** 2).mean(axis=-1)
    nvalid = valid.sum()
    caa = jnp.where(nvalid > 0, jnp.where(valid, per, 0.0).sum() / jnp.maximum(nvalid, 1).astype(jnp.float32), 0.0)
    # stats_align_loss (differentiable w.r.t. feats; buffers are constants)
    gm = jax.lax.stop_gradient(global_mean)
    gc = jax.lax.stop_gradient(global_cov)
    loss_s = jnp.float32(0.0)
    vs = jnp.float32(0.0)
    for d in range(M):
        w = (domain_ids == d).astype(feats.dtype)
        n_d = w.sum()
        mu_d = (feats * w[:, None]).sum(axis=0) / jnp.maximum(n_d, 1.0)
        xcd = (feats - mu_d) * w[:, None]
        cov_d = xcd.T @ xcd / (n_d + 1e-06)
        term = ((mu_d - gm) ** 2).mean() + ((cov_d - gc) ** 2).mean()
        ok = (n_d > 0).astype(jnp.float32)
        loss_s = loss_s + ok * term
        vs = vs + ok
    stats = jnp.where(vs > 0, loss_s / jnp.maximum(vs, 1.0), 0.0)
    return caa + stats

def reference(feats, labels, domain_ids):
    return _forward(feats, labels, domain_ids)

if __name__ == "__main__":
    import jax
    _d = setup_inputs()
    print(jax.jit(kernel)(*tuple(_d.values())))

</pallas_src>

<mosaic_0001>
#map = affine_map<(d0, d1) -> (0, 0)>
#map1 = affine_map<(d0, d1) -> (0)>
#map2 = affine_map<(d0, d1) -> (0, 0, 0)>
module attributes {stable_mosaic.version = 14 : i64} {
  func.func @_sc_body(%arg0: i32, %arg1: i32, %arg2: memref<1000000x32xf32, #tpu.memory_space<hbm>>, %arg3: memref<1000000xi32, #tpu.memory_space<hbm>>, %arg4: memref<1000000xi32, #tpu.memory_space<hbm>>, %arg5: memref<2x1024x32xf32, #tpu.memory_space<hbm>>, %arg6: memref<32x1024xf32, #tpu.memory_space<hbm>>, %arg7: memref<2000x32xf32, #tpu.memory_space<vmem>>, %arg8: memref<2000xi32, #tpu.memory_space<vmem>>, %arg9: memref<2000xi32, #tpu.memory_space<vmem>>, %arg10: memref<2000xi32, #tpu.memory_space<vmem>>, %arg11: memref<1024xf32, #tpu.memory_space<vmem>>, %arg12: memref<128x32xf32, #tpu.memory_space<vmem>>, %arg13: memref<1024x32xf32, #tpu.memory_space<vmem_shared>>, %arg14: memref<!tpu.dma_semaphore, #tpu.memory_space<semaphore_mem>>) attributes {dimension_semantics = [#tpu.dimension_semantics<core_parallel>, #tpu.dimension_semantics<subcore_parallel>], iteration_bounds = array<i64: 2, 16>, scalar_prefetch = 0 : i64, scratch_operands = 8 : i64, tpu.core_type = #tpu.core_type<sc_vector_subcore>, window_params = [{transform_indices = #map}, {transform_indices = #map1}, {transform_indices = #map1}, {transform_indices = #map2}, {transform_indices = #map}]} {
    %mul3A = arith.constant 2 : i32
    %mul3A_0 = arith.muli %arg1, %mul3A : i32
    %add3A = arith.addi %mul3A_0, %arg0 : i32
    %iota3A = tpu.iota {dimensions = array<i32: 0>} : vector<16xi32>
    %broadcast_in_dim3A = arith.constant 0.000000e+00 : f32
    %broadcast_in_dim3A_1 = vector.broadcast %broadcast_in_dim3A : f32 to vector<16xf32>
    %broadcast_in_dim3A_2 = arith.constant 1.000000e+00 : f32
    %broadcast_in_dim3A_3 = vector.broadcast %broadcast_in_dim3A_2 : f32 to vector<16xf32>
    %scan3A = arith.constant 0 : i32
    %scan3A_4 = arith.constant 64 : i32
    %scan3A_5 = arith.addi %scan3A, %scan3A_4 : i32
    %scan3A_6 = arith.constant 8 : i32
    scf.for %scan3A_21 = %scan3A to %scan3A_5 step %scan3A_6  : i32 {
      %mul3A_22 = arith.constant 16 : i32
      %mul3A_23 = arith.muli %scan3A_21, %mul3A_22 : i32
      %swap3A = arith.index_cast %mul3A_23 : i32 to index
      %swap3A_24 = tpu.vector_load %arg11[%swap3A] {strides = array<i32>} : memref<1024xf32, #tpu.memory_space<vmem>>, vector<16xf32>,
      tpu.vector_store %arg11[%swap3A], %broadcast_in_dim3A_1 {strides = array<i32>} : memref<1024xf32, #tpu.memory_space<vmem>>, vector<16xf32>,
      %scan3A_25 = arith.constant 1 : i32
      %scan3A_26 = arith.addi %scan3A_21, %scan3A_25 : i32
      %mul3A_27 = arith.constant 16 : i32
      %mul3A_28 = arith.muli %scan3A_26, %mul3A_27 : i32
      %swap3A_29 = arith.index_cast %mul3A_28 : i32 to index
      %swap3A_30 = tpu.vector_load %arg11[%swap3A_29] {strides = array<i32>} : memref<1024xf32, #tpu.memory_space<vmem>>, vector<16xf32>,
      tpu.vector_store %arg11[%swap3A_29], %broadcast_in_dim3A_1 {strides = array<i32>} : memref<1024xf32, #tpu.memory_space<vmem>>, vector<16xf32>,
      %scan3A_31 = arith.constant 2 : i32
      %scan3A_32 = arith.addi %scan3A_21, %scan3A_31 : i32
      %mul3A_33 = arith.constant 16 : i32
      %mul3A_34 = arith.muli %scan3A_32, %mul3A_33 : i32
      %swap3A_35 = arith.index_cast %mul3A_34 : i32 to index
      %swap3A_36 = tpu.vector_load %arg11[%swap3A_35] {strides = array<i32>} : memref<1024xf32, #tpu.memory_space<vmem>>, vector<16xf32>,
      tpu.vector_store %arg11[%swap3A_35], %broadcast_in_dim3A_1 {strides = array<i32>} : memref<1024xf32, #tpu.memory_space<vmem>>, vector<16xf32>,
      %scan3A_37 = arith.constant 3 : i32
      %scan3A_38 = arith.addi %scan3A_21, %scan3A_37 : i32
      %mul3A_39 = arith.constant 16 : i32
      %mul3A_40 = arith.muli %scan3A_38, %mul3A_39 : i32
      %swap3A_41 = arith.index_cast %mul3A_40 : i32 to index
      %swap3A_42 = tpu.vector_load %arg11[%swap3A_41] {strides = array<i32>} : memref<1024xf32, #tpu.memory_space<vmem>>, vector<16xf32>,
      tpu.vector_store %arg11[%swap3A_41], %broadcast_in_dim3A_1 {strides = array<i32>} : memref<1024xf32, #tpu.memory_space<vmem>>, vector<16xf32>,
      %scan3A_43 = arith.constant 4 : i32
      %scan3A_44 = arith.addi %scan3A_21, %scan3A_43 : i32
      %mul3A_45 = arith.constant 16 : i32
      %mul3A_46 = arith.muli %scan3A_44, %mul3A_45 : i32
      %swap3A_47 = arith.index_cast %mul3A_46 : i32 to index
      %swap3A_48 = tpu.vector_load %arg11[%swap3A_47] {strides = array<i32>} : memref<1024xf32, #tpu.memory_space<vmem>>, vector<16xf32>,
      tpu.vector_store %arg11[%swap3A_47], %broadcast_in_dim3A_1 {strides = array<i32>} : memref<1024xf32, #tpu.memory_space<vmem>>, vector<16xf32>,
      %scan3A_49 = arith.constant 5 : i32
      %scan3A_50 = arith.addi %scan3A_21, %scan3A_49 : i32
      %mul3A_51 = arith.constant 16 : i32
      %mul3A_52 = arith.muli %scan3A_50, %mul3A_51 : i32
      %swap3A_53 = arith.index_cast %mul3A_52 : i32 to index
      %swap3A_54 = tpu.vector_load %arg11[%swap3A_53] {strides = array<i32>} : memref<1024xf32, #tpu.memory_space<vmem>>, vector<16xf32>,
      tpu.vector_store %arg11[%swap3A_53], %broadcast_in_dim3A_1 {strides = array<i32>} : memref<1024xf32, #tpu.memory_space<vmem>>, vector<16xf32>,
      %scan3A_55 = arith.constant 6 : i32
      %scan3A_56 = arith.addi %scan3A_21, %scan3A_55 : i32
      %mul3A_57 = arith.constant 16 : i32
      %mul3A_58 = arith.muli %scan3A_56, %mul3A_57 : i32
      %swap3A_59 = arith.index_cast %mul3A_58 : i32 to index
      %swap3A_60 = tpu.vector_load %arg11[%swap3A_59] {strides = array<i32>} : memref<1024xf32, #tpu.memory_space<vmem>>, vector<16xf32>,
      tpu.vector_store %arg11[%swap3A_59], %broadcast_in_dim3A_1 {strides = array<i32>} : memref<1024xf32, #tpu.memory_space<vmem>>, vector<16xf32>,
      %scan3A_61 = arith.constant 7 : i32
      %scan3A_62 = arith.addi %scan3A_21, %scan3A_61 : i32
      %mul3A_63 = arith.constant 16 : i32
      %mul3A_64 = arith.muli %scan3A_62, %mul3A_63 : i32
      %swap3A_65 = arith.index_cast %mul3A_64 : i32 to index
      %swap3A_66 = tpu.vector_load %arg11[%swap3A_65] {strides = array<i32>} : memref<1024xf32, #tpu.memory_space<vmem>>, vector<16xf32>,
      tpu.vector_store %arg11[%swap3A_65], %broadcast_in_dim3A_1 {strides = array<i32>} : memref<1024xf32, #tpu.memory_space<vmem>>, vector<16xf32>,
    }
    %scan3A_7 = arith.constant 64 : i32
    %eq3A = arith.constant 0 : i32
    %eq3A_8 = arith.cmpi eq, %arg1, %eq3A : i32
    %convert_element_type3A = arith.extui %eq3A_8 : i1 to i32
    %cond3A = arith.constant 0 : i32
    %cond3A_9 = arith.cmpi ne, %convert_element_type3A, %cond3A : i32
    scf.if %cond3A_9 {
      %scan3A_21 = arith.constant 0 : i32
      %scan3A_22 = arith.constant 128 : i32
      %scan3A_23 = arith.addi %scan3A_21, %scan3A_22 : i32
      %scan3A_24 = arith.constant 8 : i32
      scf.for %scan3A_31 = %scan3A_21 to %scan3A_23 step %scan3A_24  : i32 {
        %swap3A = arith.index_cast %scan3A_31 : i32 to index
        %swap3A_32 = arith.constant 0 : index
        %swap3A_33 = tpu.vector_load %arg12[%swap3A, %swap3A_32] {strides = array<i32>} : memref<128x32xf32, #tpu.memory_space<vmem>>, vector<16xf32>,
        tpu.vector_store %arg12[%swap3A, %swap3A_32], %broadcast_in_dim3A_1 {strides = array<i32>} : memref<128x32xf32, #tpu.memory_space<vmem>>, vector<16xf32>,
        %swap3A_34 = arith.index_cast %scan3A_31 : i32 to index
        %swap3A_35 = arith.constant 16 : index
        %swap3A_36 = tpu.vector_load %arg12[%swap3A_34, %swap3A_35] {strides = array<i32>} : memref<128x32xf32, #tpu.memory_space<vmem>>, vector<16xf32>,
        tpu.vector_store %arg12[%swap3A_34, %swap3A_35], %broadcast_in_dim3A_1 {strides = array<i32>} : memref<128x32xf32, #tpu.memory_space<vmem>>, vector<16xf32>,
        %scan3A_37 = arith.constant 1 : i32
        %scan3A_38 = arith.addi %scan3A_31, %scan3A_37 : i32
        %swap3A_39 = arith.index_cast %scan3A_38 : i32 to index
        %swap3A_40 = arith.constant 0 : index
        %swap3A_41 = tpu.vector_load %arg12[%swap3A_39, %swap3A_40] {strides = array<i32>} : memref<128x32xf32, #tpu.memory_space<vmem>>, vector<16xf32>,
        tpu.vector_store %arg12[%swap3A_39, %swap3A_40], %broadcast_in_dim3A_1 {strides = array<i32>} : memref<128x32xf32, #tpu.memory_space<vmem>>, vector<16xf32>,
        %swap3A_42 = arith.index_cast %scan3A_38 : i32 to index
        %swap3A_43 = arith.constant 16 : index
        %swap3A_44 = tpu.vector_load %arg12[%swap3A_42, %swap3A_43] {strides = array<i32>} : memref<128x32xf32, #tpu.memory_space<vmem>>, vector<16xf32>,
        tpu.vector_store %arg12[%swap3A_42, %swap3A_43], %broadcast_in_dim3A_1 {strides = array<i32>} : memref<128x32xf32, #tpu.memory_space<vmem>>, vector<16xf32>,
        %scan3A_45 = arith.constant 2 : i32
        %scan3A_46 = arith.addi %scan3A_31, %scan3A_45 : i32
        %swap3A_47 = arith.index_cast %scan3A_46 : i32 to index
        %swap3A_48 = arith.constant 0 : index
        %swap3A_49 = tpu.vector_load %arg12[%swap3A_47, %swap3A_48] {strides = array<i32>} : memref<128x32xf32, #tpu.memory_space<vmem>>, vector<16xf32>,
        tpu.vector_store %arg12[%swap3A_47, %swap3A_48], %broadcast_in_dim3A_1 {strides = array<i32>} : memref<128x32xf32, #tpu.memory_space<vmem>>, vector<16xf32>,
        %swap3A_50 = arith.index_cast %scan3A_46 : i32 to index
        %swap3A_51 = arith.constant 16 : index
        %swap3A_52 = tpu.vector_load %arg12[%swap3A_50, %swap3A_51] {strides = array<i32>} : memref<128x32xf32, #tpu.memory_space<vmem>>, vector<16xf32>,
        tpu.vector_store %arg12[%swap3A_50, %swap3A_51], %broadcast_in_dim3A_1 {strides = array<i32>} : memref<128x32xf32, #tpu.memory_space<vmem>>, vector<16xf32>,
        %scan3A_53 = arith.constant 3 : i32
        %scan3A_54 = arith.addi %scan3A_31, %scan3A_53 : i32
        %swap3A_55 = arith.index_cast %scan3A_54 : i32 to index
        %swap3A_56 = arith.constant 0 : index
        %swap3A_57 = tpu.vector_load %arg12[%swap3A_55, %swap3A_56] {strides = array<i32>} : memref<128x32xf32, #tpu.memory_space<vmem>>, vector<16xf32>,
        tpu.vector_store %arg12[%swap3A_55, %swap3A_56], %broadcast_in_dim3A_1 {strides = array<i32>} : memref<128x32xf32, #tpu.memory_space<vmem>>, vector<16xf32>,
        %swap3A_58 = arith.index_cast %scan3A_54 : i32 to index
        %swap3A_59 = arith.constant 16 : index
        %swap3A_60 = tpu.vector_load %arg12[%swap3A_58, %swap3A_59] {strides = array<i32>} : memref<128x32xf32, #tpu.memory_space<vmem>>, vector<16xf32>,
        tpu.vector_store %arg12[%swap3A_58, %swap3A_59], %broadcast_in_dim3A_1 {strides = array<i32>} : memref<128x32xf32, #tpu.memory_space<vmem>>, vector<16xf32>,
        %scan3A_61 = arith.constant 4 : i32
        %scan3A_62 = arith.addi %scan3A_31, %scan3A_61 : i32
        %swap3A_63 = arith.index_cast %scan3A_62 : i32 to index
        %swap3A_64 = arith.constant 0 : index
        %swap3A_65 = tpu.vector_load %arg12[%swap3A_63, %swap3A_64] {strides = array<i32>} : memref<128x32xf32, #tpu.memory_space<vmem>>, vector<16xf32>,
        tpu.vector_store %arg12[%swap3A_63, %swap3A_64], %broadcast_in_dim3A_1 {strides = array<i32>} : memref<128x32xf32, #tpu.memory_space<vmem>>, vector<16xf32>,
        %swap3A_66 = arith.index_cast %scan3A_62 : i32 to index
        %swap3A_67 = arith.constant 16 : index
        %swap3A_68 = tpu.vector_load %arg12[%swap3A_66, %swap3A_67] {strides = array<i32>} : memref<128x32xf32, #tpu.memory_space<vmem>>, vector<16xf32>,
        tpu.vector_store %arg12[%swap3A_66, %swap3A_67], %broadcast_in_dim3A_1 {strides = array<i32>} : memref<128x32xf32, #tpu.memory_space<vmem>>, vector<16xf32>,
        %scan3A_69 = arith.constant 5 : i32
        %scan3A_70 = arith.addi %scan3A_31, %scan3A_69 : i32
        %swap3A_71 = arith.index_cast %scan3A_70 : i32 to index
        %swap3A_72 = arith.constant 0 : index
        %swap3A_73 = tpu.vector_load %arg12[%swap3A_71, %swap3A_72] {strides = array<i32>} : memref<128x32xf32, #tpu.memory_space<vmem>>, vector<16xf32>,
        tpu.vector_store %arg12[%swap3A_71, %swap3A_72], %broadcast_in_dim3A_1 {strides = array<i32>} : memref<128x32xf32, #tpu.memory_space<vmem>>, vector<16xf32>,
        %swap3A_74 = arith.index_cast %scan3A_70 : i32 to index
        %swap3A_75 = arith.constant 16 : index
        %swap3A_76 = tpu.vector_load %arg12[%swap3A_74, %swap3A_75] {strides = array<i32>} : memref<128x32xf32, #tpu.memory_space<vmem>>, vector<16xf32>,
        tpu.vector_store %arg12[%swap3A_74, %swap3A_75], %broadcast_in_dim3A_1 {strides = array<i32>} : memref<128x32xf32, #tpu.memory_space<vmem>>, vector<16xf32>,
        %scan3A_77 = arith.constant 6 : i32
        %scan3A_78 = arith.addi %scan3A_31, %scan3A_77 : i32
        %swap3A_79 = arith.index_cast %scan3A_78 : i32 to index
        %swap3A_80 = arith.constant 0 : index
        %swap3A_81 = tpu.vector_load %arg12[%swap3A_79, %swap3A_80] {strides = array<i32>} : memref<128x32xf32, #tpu.memory_space<vmem>>, vector<16xf32>,
        tpu.vector_store %arg12[%swap3A_79, %swap3A_80], %broadcast_in_dim3A_1 {strides = array<i32>} : memref<128x32xf32, #tpu.memory_space<vmem>>, vector<16xf32>,
        %swap3A_82 = arith.index_cast %scan3A_78 : i32 to index
        %swap3A_83 = arith.constant 16 : index
        %swap3A_84 = tpu.vector_load %arg12[%swap3A_82, %swap3A_83] {strides = array<i32>} : memref<128x32xf32, #tpu.memory_space<vmem>>, vector<16xf32>,
        tpu.vector_store %arg12[%swap3A_82, %swap3A_83], %broadcast_in_dim3A_1 {strides = array<i32>} : memref<128x32xf32, #tpu.memory_space<vmem>>, vector<16xf32>,
        %scan3A_85 = arith.constant 7 : i32
        %scan3A_86 = arith.addi %scan3A_31, %scan3A_85 : i32
        %swap3A_87 = arith.index_cast %scan3A_86 : i32 to index
        %swap3A_88 = arith.constant 0 : index
        %swap3A_89 = tpu.vector_load %arg12[%swap3A_87, %swap3A_88] {strides = array<i32>} : memref<128x32xf32, #tpu.memory_space<vmem>>, vector<16xf32>,
        tpu.vector_store %arg12[%swap3A_87, %swap3A_88], %broadcast_in_dim3A_1 {strides = array<i32>} : memref<128x32xf32, #tpu.memory_space<vmem>>, vector<16xf32>,
        %swap3A_90 = arith.index_cast %scan3A_86 : i32 to index
        %swap3A_91 = arith.constant 16 : index
        %swap3A_92 = tpu.vector_load %arg12[%swap3A_90, %swap3A_91] {strides = array<i32>} : memref<128x32xf32, #tpu.memory_space<vmem>>, vector<16xf32>,
        tpu.vector_store %arg12[%swap3A_90, %swap3A_91], %broadcast_in_dim3A_1 {strides = array<i32>} : memref<128x32xf32, #tpu.memory_space<vmem>>, vector<16xf32>,
      }
      %scan3A_25 = arith.constant 128 : i32
      %scan3A_26 = arith.constant 0 : i32
      %scan3A_27 = arith.constant 8 : i32
      %scan3A_28 = arith.addi %scan3A_26, %scan3A_27 : i32
      %scan3A_29 = arith.constant 1 : i32
      scf.for %scan3A_31 = %scan3A_26 to %scan3A_28 step %scan3A_29  : i32 {
        %mul3A_32 = arith.constant 128 : i32
        %mul3A_33 = arith.muli %scan3A_31, %mul3A_32 : i32
        "tpu.region"() ({
          %run_scoped3A = tpu.sem_alloc : memref<!tpu.dma_semaphore, #tpu.memory_space<semaphore_mem>>
          %dma_start3A = arith.constant 0 : i32
          %dma_start3A_34 = tpu.memref_slice %arg13[%mul3A_33, %dma_start3A] : memref<1024x32xf32, #tpu.memory_space<vmem_shared>> -> memref<128x32xf32, #tpu.memory_space<vmem_shared>>
          %dma_start3A_35 = arith.constant 0 : i32
          %dma_start3A_36 = tpu.memref_slice %arg13[%mul3A_33, %dma_start3A_35] : memref<1024x32xf32, #tpu.memory_space<vmem_shared>> -> memref<128x32xf32, #tpu.memory_space<vmem_shared>>
          tpu.enqueue_dma source(%arg12 : memref<128x32xf32, #tpu.memory_space<vmem>>) target(%dma_start3A_36 : memref<128x32xf32, #tpu.memory_space<vmem_shared>>) target_semaphore(%run_scoped3A : memref<!tpu.dma_semaphore, #tpu.memory_space<semaphore_mem>>)
          %dma_wait3A = arith.constant 0 : i32
          %dma_wait3A_37 = tpu.memref_slice %arg13[%mul3A_33, %dma_wait3A] : memref<1024x32xf32, #tpu.memory_space<vmem_shared>> -> memref<128x32xf32, #tpu.memory_space<vmem_shared>>
          %dma_wait3A_38 = arith.constant 0 : i32
          %dma_wait3A_39 = tpu.memref_slice %arg13[%mul3A_33, %dma_wait3A_38] : memref<1024x32xf32, #tpu.memory_space<vmem_shared>> -> memref<128x32xf32, #tpu.memory_space<vmem_shared>>
          tpu.wait_dma2 semaphore(%run_scoped3A : memref<!tpu.dma_semaphore, #tpu.memory_space<semaphore_mem>>) src(%arg12 : memref<128x32xf32, #tpu.memory_space<vmem>>) dst(%dma_wait3A_39 : memref<128x32xf32, #tpu.memory_space<vmem_shared>>)
          tpu.yield
        }) : () -> ()
      }
      %scan3A_30 = arith.constant 8 : i32
    } else {
    }
    %barrier3A = arith.constant 0 : index
    tpu.barrier barrier_id(%barrier3A)
    %scan3A_10 = arith.constant 0 : i32
    %scan3A_11 = arith.constant 16 : i32
    %scan3A_12 = arith.addi %scan3A_10, %scan3A_11 : i32
    %scan3A_13 = arith.constant 1 : i32
    scf.for %scan3A_21 = %scan3A_10 to %scan3A_12 step %scan3A_13  : i32 {
      %mul3A_22 = arith.constant 32 : i32
      %mul3A_23 = arith.muli %mul3A_22, %scan3A_21 : i32
      %add3A_24 = arith.addi %add3A, %mul3A_23 : i32
      %lt3A = arith.constant 500 : i32
      %lt3A_25 = arith.cmpi slt, %add3A_24, %lt3A : i32
      %convert_element_type3A_26 = arith.extui %lt3A_25 : i1 to i32
      %cond3A_27 = arith.constant 0 : i32
      %cond3A_28 = arith.cmpi ne, %convert_element_type3A_26, %cond3A_27 : i32
      scf.if %cond3A_28 {
        %mul3A_29 = arith.constant 2000 : i32
        %mul3A_30 = arith.muli %add3A_24, %mul3A_29 : i32
        %dma_start3A = arith.constant 0 : i32
        %dma_start3A_31 = tpu.memref_slice %arg2[%mul3A_30, %dma_start3A] : memref<1000000x32xf32, #tpu.memory_space<hbm>> -> memref<2000x32xf32, #tpu.memory_space<hbm>>
        %dma_start3A_32 = arith.constant 0 : i32
        %dma_start3A_33 = tpu.memref_slice %arg2[%mul3A_30, %dma_start3A_32] : memref<1000000x32xf32, #tpu.memory_space<hbm>> -> memref<2000x32xf32, #tpu.memory_space<hbm>>
        tpu.enqueue_dma source(%dma_start3A_33 : memref<2000x32xf32, #tpu.memory_space<hbm>>) target(%arg7 : memref<2000x32xf32, #tpu.memory_space<vmem>>) target_semaphore(%arg14 : memref<!tpu.dma_semaphore, #tpu.memory_space<semaphore_mem>>)
        %dma_wait3A = arith.constant 0 : i32
        %dma_wait3A_34 = tpu.memref_slice %arg2[%mul3A_30, %dma_wait3A] : memref<1000000x32xf32, #tpu.memory_space<hbm>> -> memref<2000x32xf32, #tpu.memory_space<hbm>>
        %dma_wait3A_35 = arith.constant 0 : i32
        %dma_wait3A_36 = tpu.memref_slice %arg2[%mul3A_30, %dma_wait3A_35] : memref<1000000x32xf32, #tpu.memory_space<hbm>> -> memref<2000x32xf32, #tpu.memory_space<hbm>>
        tpu.wait_dma2 semaphore(%arg14 : memref<!tpu.dma_semaphore, #tpu.memory_space<semaphore_mem>>) src(%dma_wait3A_36 : memref<2000x32xf32, #tpu.memory_space<hbm>>) dst(%arg7 : memref<2000x32xf32, #tpu.memory_space<vmem>>)
        "tpu.region"() ({
          %run_scoped3A = tpu.sem_alloc : memref<!tpu.dma_semaphore, #tpu.memory_space<semaphore_mem>>
          %dma_start3A_42 = tpu.memref_slice %arg3[%mul3A_30] : memref<1000000xi32, #tpu.memory_space<hbm>> -> memref<2000xi32, #tpu.memory_space<hbm>>
          %dma_start3A_43 = tpu.memref_slice %arg3[%mul3A_30] : memref<1000000xi32, #tpu.memory_space<hbm>> -> memref<2000xi32, #tpu.memory_space<hbm>>
          tpu.enqueue_dma source(%dma_start3A_43 : memref<2000xi32, #tpu.memory_space<hbm>>) target(%arg8 : memref<2000xi32, #tpu.memory_space<vmem>>) target_semaphore(%run_scoped3A : memref<!tpu.dma_semaphore, #tpu.memory_space<semaphore_mem>>)
          %dma_wait3A_44 = tpu.memref_slice %arg3[%mul3A_30] : memref<1000000xi32, #tpu.memory_space<hbm>> -> memref<2000xi32, #tpu.memory_space<hbm>>
          %dma_wait3A_45 = tpu.memref_slice %arg3[%mul3A_30] : memref<1000000xi32, #tpu.memory_space<hbm>> -> memref<2000xi32, #tpu.memory_space<hbm>>
          tpu.wait_dma2 semaphore(%run_scoped3A : memref<!tpu.dma_semaphore, #tpu.memory_space<semaphore_mem>>) src(%dma_wait3A_45 : memref<2000xi32, #tpu.memory_space<hbm>>) dst(%arg8 : memref<2000xi32, #tpu.memory_space<vmem>>)
          tpu.yield
        }) : () -> ()
        "tpu.region"() ({
          %run_scoped3A = tpu.sem_alloc : memref<!tpu.dma_semaphore, #tpu.memory_space<semaphore_mem>>
          %dma_start3A_42 = tpu.memref_slice %arg4[%mul3A_30] : memref<1000000xi32, #tpu.memory_space<hbm>> -> memref<2000xi32, #tpu.memory_space<hbm>>
          %dma_start3A_43 = tpu.memref_slice %arg4[%mul3A_30] : memref<1000000xi32, #tpu.memory_space<hbm>> -> memref<2000xi32, #tpu.memory_space<hbm>>
          tpu.enqueue_dma source(%dma_start3A_43 : memref<2000xi32, #tpu.memory_space<hbm>>) target(%arg9 : memref<2000xi32, #tpu.memory_space<vmem>>) target_semaphore(%run_scoped3A : memref<!tpu.dma_semaphore, #tpu.memory_space<semaphore_mem>>)
          %dma_wait3A_44 = tpu.memref_slice %arg4[%mul3A_30] : memref<1000000xi32, #tpu.memory_space<hbm>> -> memref<2000xi32, #tpu.memory_space<hbm>>
          %dma_wait3A_45 = tpu.memref_slice %arg4[%mul3A_30] : memref<1000000xi32, #tpu.memory_space<hbm>> -> memref<2000xi32, #tpu.memory_space<hbm>>
          tpu.wait_dma2 semaphore(%run_scoped3A : memref<!tpu.dma_semaphore, #tpu.memory_space<semaphore_mem>>) src(%dma_wait3A_45 : memref<2000xi32, #tpu.memory_space<hbm>>) dst(%arg9 : memref<2000xi32, #tpu.memory_space<vmem>>)
          tpu.yield
        }) : () -> ()
        %scan3A_37 = arith.constant 0 : i32
        %scan3A_38 = arith.constant 125 : i32
        %scan3A_39 = arith.addi %scan3A_37, %scan3A_38 : i32
        %scan3A_40 = arith.constant 1 : i32
        scf.for %scan3A_42 = %scan3A_37 to %scan3A_39 step %scan3A_40  : i32 {
          %mul3A_43 = arith.constant 16 : i32
          %mul3A_44 = arith.muli %scan3A_42, %mul3A_43 : i32
          %get3A = arith.index_cast %mul3A_44 : i32 to index
          %get3A_45 = tpu.vector_load %arg8[%get3A] {strides = array<i32>} : memref<2000xi32, #tpu.memory_space<vmem>>, vector<16xi32>,
          %mul3A_46 = arith.constant 16 : i32
          %mul3A_47 = arith.muli %scan3A_42, %mul3A_46 : i32
          %get3A_48 = arith.index_cast %mul3A_47 : i32 to index
          %get3A_49 = tpu.vector_load %arg9[%get3A_48] {strides = array<i32>} : memref<2000xi32, #tpu.memory_space<vmem>>, vector<16xi32>,
          %mul3A_50 = arith.constant 256 : i32
          %mul3A_51 = vector.broadcast %mul3A_50 : i32 to vector<16xi32>
          %mul3A_52 = arith.muli %get3A_49, %mul3A_51 : vector<16xi32>
          %add3A_53 = arith.addi %mul3A_52, %get3A_45 : vector<16xi32>
          %mul3A_54 = arith.constant 16 : i32
          %mul3A_55 = arith.muli %scan3A_42, %mul3A_54 : i32
          %swap3A = arith.index_cast %mul3A_55 : i32 to index
          %swap3A_56 = tpu.vector_load %arg10[%swap3A] {strides = array<i32>} : memref<2000xi32, #tpu.memory_space<vmem>>, vector<16xi32>,
          tpu.vector_store %arg10[%swap3A], %add3A_53 {strides = array<i32>} : memref<2000xi32, #tpu.memory_space<vmem>>, vector<16xi32>,
          tpu.vector_store_idx %arg11[%add3A_53], %broadcast_in_dim3A_3 {add = true} : memref<1024xf32, #tpu.memory_space<vmem>>[vector<16xi32>], vector<16xf32>,
        }
        %scan3A_41 = arith.constant 125 : i32
        "tpu.region"() ({
          %run_scoped3A = tpu.sem_alloc : memref<!tpu.dma_semaphore, #tpu.memory_space<semaphore_mem>>
          %dma_start3A_42 = arith.constant 0 : i32
          %dma_start3A_43 = arith.constant 0 : i32
          %dma_start3A_44 = tpu.memref_slice %arg13[%dma_start3A_42, %dma_start3A_43] : memref<1024x32xf32, #tpu.memory_space<vmem_shared>> -> memref<1024x32xf32, #tpu.memory_space<vmem_shared>>
          tpu.enqueue_indirect_dma source(%arg7 : memref<2000x32xf32, #tpu.memory_space<vmem>>) target(%dma_start3A_44 : memref<1024x32xf32, #tpu.memory_space<vmem_shared>>) offsets(%arg10 : memref<2000xi32, #tpu.memory_space<vmem>>) semaphore(%run_scoped3A : memref<!tpu.dma_semaphore, #tpu.memory_space<semaphore_mem>>) {add = true}
          %dma_wait3A_45 = arith.constant 0 : i32
          %dma_wait3A_46 = arith.constant 0 : i32
          %dma_wait3A_47 = tpu.memref_slice %arg13[%dma_wait3A_45, %dma_wait3A_46] : memref<1024x32xf32, #tpu.memory_space<vmem_shared>> -> memref<1024x32xf32, #tpu.memory_space<vmem_shared>>
          tpu.wait_indirect_dma semaphore(%run_scoped3A : memref<!tpu.dma_semaphore, #tpu.memory_space<semaphore_mem>>) src(%arg7 : memref<2000x32xf32, #tpu.memory_space<vmem>>) dst(%dma_wait3A_47 : memref<1024x32xf32, #tpu.memory_space<vmem_shared>>)
          tpu.yield
        }) : () -> ()
      } else {
      }
    }
    %scan3A_14 = arith.constant 16 : i32
    %barrier3A_15 = arith.constant 0 : index
    tpu.barrier barrier_id(%barrier3A_15)
    %eq3A_16 = arith.constant 0 : i32
    %eq3A_17 = arith.cmpi eq, %arg1, %eq3A_16 : i32
    %convert_element_type3A_18 = arith.extui %eq3A_17 : i1 to i32
    %cond3A_19 = arith.constant 0 : i32
    %cond3A_20 = arith.cmpi ne, %convert_element_type3A_18, %cond3A_19 : i32
    scf.if %cond3A_20 {
      "tpu.region"() ({
        %run_scoped3A = tpu.sem_alloc : memref<!tpu.dma_semaphore, #tpu.memory_space<semaphore_mem>>
        %dma_start3A = arith.constant 0 : i32
        %dma_start3A_21 = arith.constant 0 : i32
        %dma_start3A_22 = tpu.memref_slice %arg5[%arg0, %dma_start3A, %dma_start3A_21] : memref<2x1024x32xf32, #tpu.memory_space<hbm>> -> memref<1x1024x32xf32, #tpu.memory_space<hbm>>
        %dma_start3A_23 = tpu.memref_squeeze %dma_start3A_22 : memref<1x1024x32xf32, #tpu.memory_space<hbm>> -> memref<1024x32xf32, #tpu.memory_space<hbm>>
        tpu.enqueue_dma source(%arg13 : memref<1024x32xf32, #tpu.memory_space<vmem_shared>>) target(%dma_start3A_23 : memref<1024x32xf32, #tpu.memory_space<hbm>>) target_semaphore(%run_scoped3A : memref<!tpu.dma_semaphore, #tpu.memory_space<semaphore_mem>>)
        %dma_wait3A = arith.constant 0 : i32
        %dma_wait3A_24 = arith.constant 0 : i32
        %dma_wait3A_25 = tpu.memref_slice %arg5[%arg0, %dma_wait3A, %dma_wait3A_24] : memref<2x1024x32xf32, #tpu.memory_space<hbm>> -> memref<1x1024x32xf32, #tpu.memory_space<hbm>>
        %dma_wait3A_26 = tpu.memref_squeeze %dma_wait3A_25 : memref<1x1024x32xf32, #tpu.memory_space<hbm>> -> memref<1024x32xf32, #tpu.memory_space<hbm>>
        tpu.wait_dma2 semaphore(%run_scoped3A : memref<!tpu.dma_semaphore, #tpu.memory_space<semaphore_mem>>) src(%arg13 : memref<1024x32xf32, #tpu.memory_space<vmem_shared>>) dst(%dma_wait3A_26 : memref<1024x32xf32, #tpu.memory_space<hbm>>)
        tpu.yield
      }) : () -> ()
    } else {
    }
    "tpu.region"() ({
      %run_scoped3A = tpu.sem_alloc : memref<!tpu.dma_semaphore, #tpu.memory_space<semaphore_mem>>
      %dma_start3A = arith.constant 0 : i32
      %dma_start3A_21 = tpu.memref_slice %arg6[%add3A, %dma_start3A] : memref<32x1024xf32, #tpu.memory_space<hbm>> -> memref<1x1024xf32, #tpu.memory_space<hbm>>
      %dma_start3A_22 = tpu.memref_squeeze %dma_start3A_21 : memref<1x1024xf32, #tpu.memory_space<hbm>> -> memref<1024xf32, #tpu.memory_space<hbm>>
      %dma_start3A_23 = arith.constant 0 : i32
      %dma_start3A_24 = tpu.memref_slice %arg6[%add3A, %dma_start3A_23] : memref<32x1024xf32, #tpu.memory_space<hbm>> -> memref<1x1024xf32, #tpu.memory_space<hbm>>
      %dma_start3A_25 = tpu.memref_squeeze %dma_start3A_24 : memref<1x1024xf32, #tpu.memory_space<hbm>> -> memref<1024xf32, #tpu.memory_space<hbm>>
      tpu.enqueue_dma source(%arg11 : memref<1024xf32, #tpu.memory_space<vmem>>) target(%dma_start3A_25 : memref<1024xf32, #tpu.memory_space<hbm>>) target_semaphore(%run_scoped3A : memref<!tpu.dma_semaphore, #tpu.memory_space<semaphore_mem>>)
      %dma_wait3A = arith.constant 0 : i32
      %dma_wait3A_26 = tpu.memref_slice %arg6[%add3A, %dma_wait3A] : memref<32x1024xf32, #tpu.memory_space<hbm>> -> memref<1x1024xf32, #tpu.memory_space<hbm>>
      %dma_wait3A_27 = tpu.memref_squeeze %dma_wait3A_26 : memref<1x1024xf32, #tpu.memory_space<hbm>> -> memref<1024xf32, #tpu.memory_space<hbm>>
      %dma_wait3A_28 = arith.constant 0 : i32
      %dma_wait3A_29 = tpu.memref_slice %arg6[%add3A, %dma_wait3A_28] : memref<32x1024xf32, #tpu.memory_space<hbm>> -> memref<1x1024xf32, #tpu.memory_space<hbm>>
      %dma_wait3A_30 = tpu.memref_squeeze %dma_wait3A_29 : memref<1x1024xf32, #tpu.memory_space<hbm>> -> memref<1024xf32, #tpu.memory_space<hbm>>
      tpu.wait_dma2 semaphore(%run_scoped3A : memref<!tpu.dma_semaphore, #tpu.memory_space<semaphore_mem>>) src(%arg11 : memref<1024xf32, #tpu.memory_space<vmem>>) dst(%dma_wait3A_30 : memref<1024xf32, #tpu.memory_space<hbm>>)
      tpu.yield
    }) : () -> ()
    return
  }
}

module attributes {stable_mosaic.version = 14 : i64} {
  func.func @_s2_body(%arg0: i32, %arg1: memref<5000x128xf32, #tpu.memory_space<vmem>>, %arg2: memref<5000x4xi32, #tpu.memory_space<vmem>>, %arg3: memref<512x128xf32, #tpu.memory_space<vmem>>) attributes {dimension_semantics = [#tpu.dimension_semantics<arbitrary>], iteration_bounds = array<i64: 50>, scalar_prefetch = 0 : i64, scratch_operands = 0 : i64, tpu.core_type = #tpu.core_type<tc>, window_params = [{transform_indices = @transform_0, window_bounds = array<i64: 5000, 128>}, {transform_indices = @transform_1, window_bounds = array<i64: 5000, 4>}, {pipeline_mode = #tpu.pipeline_mode<synchronous>, transform_indices = @transform_2, window_bounds = array<i64: 512, 128>}]} {
    %get3A = arith.constant 0 : index
    %get3A_0 = arith.constant 0 : index
    %get3A_1 = vector.load %arg1[%get3A, %get3A_0] : memref<5000x128xf32, #tpu.memory_space<vmem>>, vector<5000x128xf32>
    %convert_element_type3A = arith.truncf %get3A_1 : vector<5000x128xf32> to vector<5000x128xbf16>
    %get3A_2 = arith.constant 0 : index
    %get3A_3 = arith.constant 0 : index
    %get3A_4 = vector.load %arg2[%get3A_2, %get3A_3] : memref<5000x4xi32, #tpu.memory_space<vmem>>, vector<5000x4xi32>
    %and3A = arith.constant 1 : i32
    %and3A_5 = vector.broadcast %and3A : i32 to vector<5000x4xi32>
    %and3A_6 = arith.andi %get3A_4, %and3A_5 : vector<5000x4xi32>
    %mul3A = arith.constant 2 : i32
    %mul3A_7 = vector.broadcast %mul3A : i32 to vector<5000x4xi32>
    %mul3A_8 = arith.muli %mul3A_7, %and3A_6 : vector<5000x4xi32>
    %sub3A = arith.constant 1 : i32
    %sub3A_9 = vector.broadcast %sub3A : i32 to vector<5000x4xi32>
    %sub3A_10 = arith.subi %sub3A_9, %mul3A_8 : vector<5000x4xi32>
    %convert_element_type3A_11 = arith.sitofp %sub3A_10 : vector<5000x4xi32> to vector<5000x4xbf16>
    %shift_right_arithmetic3A = arith.constant 1 : i32
    %shift_right_arithmetic3A_12 = vector.broadcast %shift_right_arithmetic3A : i32 to vector<5000x4xi32>
    %shift_right_arithmetic3A_13 = arith.shrsi %get3A_4, %shift_right_arithmetic3A_12 : vector<5000x4xi32>
    %mul3A_14 = arith.constant 2 : i32
    %mul3A_15 = vector.broadcast %mul3A_14 : i32 to vector<5000x4xi32>
    %mul3A_16 = arith.muli %mul3A_15, %shift_right_arithmetic3A_13 : vector<5000x4xi32>
    %sub3A_17 = arith.constant 1 : i32
    %sub3A_18 = vector.broadcast %sub3A_17 : i32 to vector<5000x4xi32>
    %sub3A_19 = arith.subi %sub3A_18, %mul3A_16 : vector<5000x4xi32>
    %convert_element_type3A_20 = arith.sitofp %sub3A_19 : vector<5000x4xi32> to vector<5000x4xbf16>
    %mul3A_21 = arith.mulf %convert_element_type3A_11, %convert_element_type3A_20 : vector<5000x4xbf16>
    %iota3A = tpu.iota {dimensions = array<i32: 0>} : vector<4x128xi32>
    %iota3A_22 = tpu.iota {dimensions = array<i32: 1>} : vector<4x128xi32>
    %jit3A = arith.constant 32 : i32
    %div3A = vector.broadcast %jit3A : i32 to vector<4x128xi32>
    %div3A_23 = arith.divsi %iota3A_22, %div3A : vector<4x128xi32>
    %sign3A = arith.constant 0 : i32
    %sign3A_24 = vector.broadcast %sign3A : i32 to vector<4x128xi32>
    %sign3A_25 = arith.cmpi sgt, %iota3A_22, %sign3A_24 : vector<4x128xi32>
    %sign3A_26 = arith.extui %sign3A_25 : vector<4x128xi1> to vector<4x128xi32>
    %sign3A_27 = arith.constant 0 : i32
    %sign3A_28 = vector.broadcast %sign3A_27 : i32 to vector<4x128xi32>
    %sign3A_29 = arith.cmpi slt, %iota3A_22, %sign3A_28 : vector<4x128xi32>
    %sign3A_30 = arith.extui %sign3A_29 : vector<4x128xi1> to vector<4x128xi32>
    %sign3A_31 = arith.subi %sign3A_26, %sign3A_30 : vector<4x128xi32>
    %sign3A_32 = arith.constant 0 : i32
    %sign3A_33 = arith.cmpi sgt, %jit3A, %sign3A_32 : i32
    %sign3A_34 = arith.extui %sign3A_33 : i1 to i32
    %sign3A_35 = arith.constant 0 : i32
    %sign3A_36 = arith.cmpi slt, %jit3A, %sign3A_35 : i32
    %sign3A_37 = arith.extui %sign3A_36 : i1 to i32
    %sign3A_38 = arith.subi %sign3A_34, %sign3A_37 : i32
    %ne3A = vector.broadcast %sign3A_38 : i32 to vector<4x128xi32>
    %ne3A_39 = arith.cmpi ne, %sign3A_31, %ne3A : vector<4x128xi32>
    %rem3A = vector.broadcast %jit3A : i32 to vector<4x128xi32>
    %rem3A_40 = arith.remsi %iota3A_22, %rem3A : vector<4x128xi32>
    %ne3A_41 = arith.constant 0 : i32
    %ne3A_42 = vector.broadcast %ne3A_41 : i32 to vector<4x128xi32>
    %ne3A_43 = arith.cmpi ne, %rem3A_40, %ne3A_42 : vector<4x128xi32>
    %and3A_44 = arith.andi %ne3A_39, %ne3A_43 : vector<4x128xi1>
    %sub3A_45 = arith.constant 1 : i32
    %sub3A_46 = vector.broadcast %sub3A_45 : i32 to vector<4x128xi32>
    %sub3A_47 = arith.subi %div3A_23, %sub3A_46 : vector<4x128xi32>
    %select_n3A = arith.select %and3A_44, %sub3A_47, %div3A_23 : vector<4x128xi1>, vector<4x128xi32>
    %eq3A = arith.cmpi eq, %select_n3A, %iota3A : vector<4x128xi32>
    %convert_element_type3A_48 = arith.extui %eq3A : vector<4x128xi1> to vector<4x128xi32>
    %convert_element_type3A_49 = arith.sitofp %convert_element_type3A_48 : vector<4x128xi32> to vector<4x128xf32>
    %convert_element_type3A_50 = arith.truncf %convert_element_type3A_49 : vector<4x128xf32> to vector<4x128xbf16>
    %dot_general3A = arith.constant dense<0.000000e+00> : vector<5000x128xf32>
    %dot_general3A_51 = tpu.matmul %convert_element_type3A_11, %convert_element_type3A_50, %dot_general3A {dimension_numbers = #tpu.dot_dimension_numbers<[1], [0], [0], [1], [0, 0, 1, 1], [], []>, transpose_lhs_hint = false} : vector<5000x4xbf16>, vector<4x128xbf16>, vector<5000x128xf32> -> vector<5000x128xf32>
    %convert_element_type3A_52 = arith.truncf %dot_general3A_51 : vector<5000x128xf32> to vector<5000x128xbf16>
    %mul3A_53 = arith.mulf %convert_element_type3A, %convert_element_type3A_52 : vector<5000x128xbf16>
    %dot_general3A_54 = arith.constant dense<0.000000e+00> : vector<5000x128xf32>
    %dot_general3A_55 = tpu.matmul %convert_element_type3A_20, %convert_element_type3A_50, %dot_general3A_54 {dimension_numbers = #tpu.dot_dimension_numbers<[1], [0], [0], [1], [0, 0, 1, 1], [], []>, transpose_lhs_hint = false} : vector<5000x4xbf16>, vector<4x128xbf16>, vector<5000x128xf32> -> vector<5000x128xf32>
    %convert_element_type3A_56 = arith.truncf %dot_general3A_55 : vector<5000x128xf32> to vector<5000x128xbf16>
    %mul3A_57 = arith.mulf %convert_element_type3A, %convert_element_type3A_56 : vector<5000x128xbf16>
    %dot_general3A_58 = arith.constant dense<0.000000e+00> : vector<5000x128xf32>
    %dot_general3A_59 = tpu.matmul %mul3A_21, %convert_element_type3A_50, %dot_general3A_58 {dimension_numbers = #tpu.dot_dimension_numbers<[1], [0], [0], [1], [0, 0, 1, 1], [], []>, transpose_lhs_hint = false} : vector<5000x4xbf16>, vector<4x128xbf16>, vector<5000x128xf32> -> vector<5000x128xf32>
    %convert_element_type3A_60 = arith.truncf %dot_general3A_59 : vector<5000x128xf32> to vector<5000x128xbf16>
    %mul3A_61 = arith.mulf %convert_element_type3A, %convert_element_type3A_60 : vector<5000x128xbf16>
    %dot_general3A_62 = arith.constant dense<0.000000e+00> : vector<128x128xf32>
    %dot_general3A_63 = tpu.matmul %convert_element_type3A, %convert_element_type3A, %dot_general3A_62 {dimension_numbers = #tpu.dot_dimension_numbers<[0], [0], [1], [1], [0, 1, 1, 1], [], []>, transpose_lhs_hint = false} : vector<5000x128xbf16>, vector<5000x128xbf16>, vector<128x128xf32> -> vector<128x128xf32>
    %dot_general3A_64 = arith.constant dense<0.000000e+00> : vector<128x128xf32>
    %dot_general3A_65 = tpu.matmul %mul3A_53, %convert_element_type3A, %dot_general3A_64 {dimension_numbers = #tpu.dot_dimension_numbers<[0], [0], [1], [1], [0, 1, 1, 1], [], []>, transpose_lhs_hint = false} : vector<5000x128xbf16>, vector<5000x128xbf16>, vector<128x128xf32> -> vector<128x128xf32>
    %dot_general3A_66 = arith.constant dense<0.000000e+00> : vector<128x128xf32>
    %dot_general3A_67 = tpu.matmul %mul3A_57, %convert_element_type3A, %dot_general3A_66 {dimension_numbers = #tpu.dot_dimension_numbers<[0], [0], [1], [1], [0, 1, 1, 1], [], []>, transpose_lhs_hint = false} : vector<5000x128xbf16>, vector<5000x128xbf16>, vector<128x128xf32> -> vector<128x128xf32>
    %dot_general3A_68 = arith.constant dense<0.000000e+00> : vector<128x128xf32>
    %dot_general3A_69 = tpu.matmul %mul3A_61, %convert_element_type3A, %dot_general3A_68 {dimension_numbers = #tpu.dot_dimension_numbers<[0], [0], [1], [1], [0, 1, 1, 1], [], []>, transpose_lhs_hint = false} : vector<5000x128xbf16>, vector<5000x128xbf16>, vector<128x128xf32> -> vector<128x128xf32>
    %concatenate3A = tpu.concatenate %dot_general3A_63, %dot_general3A_65, %dot_general3A_67, %dot_general3A_69 in 0 : vector<128x128xf32>, vector<128x128xf32>, vector<128x128xf32>, vector<128x128xf32> -> vector<512x128xf32>
    %eq3A_70 = arith.constant 0 : i32
    %eq3A_71 = arith.cmpi eq, %arg0, %eq3A_70 : i32
    %convert_element_type3A_72 = arith.extui %eq3A_71 : i1 to i32
    %cond3A = arith.constant 0 : i32
    %cond3A_73 = arith.cmpi ne, %convert_element_type3A_72, %cond3A : i32
    scf.if %cond3A_73 {
      %broadcast_in_dim3A = arith.constant 0.000000e+00 : f32
      %broadcast_in_dim3A_79 = vector.broadcast %broadcast_in_dim3A : f32 to vector<512x128xf32>
      %swap3A_80 = arith.constant 0 : index
      %swap3A_81 = arith.constant 0 : index
      %swap3A_82 = vector.load %arg3[%swap3A_80, %swap3A_81] : memref<512x128xf32, #tpu.memory_space<vmem>>, vector<512x128xf32>
      tpu.vector_store %arg3[%swap3A_80, %swap3A_81], %broadcast_in_dim3A_79 {strides = array<i32>} : memref<512x128xf32, #tpu.memory_space<vmem>>, vector<512x128xf32>,
    } else {
    }
    %get3A_74 = arith.constant 0 : index
    %get3A_75 = arith.constant 0 : index
    %get3A_76 = vector.load %arg3[%get3A_74, %get3A_75] : memref<512x128xf32, #tpu.memory_space<vmem>>, vector<512x128xf32>
    %add3A = arith.addf %get3A_76, %concatenate3A : vector<512x128xf32>
    %swap3A = arith.constant 0 : index
    %swap3A_77 = arith.constant 0 : index
    %swap3A_78 = vector.load %arg3[%swap3A, %swap3A_77] : memref<512x128xf32, #tpu.memory_space<vmem>>, vector<512x128xf32>
    tpu.vector_store %arg3[%swap3A, %swap3A_77], %add3A {strides = array<i32>} : memref<512x128xf32, #tpu.memory_space<vmem>>, vector<512x128xf32>,
    return
  }
  func.func @transform_0(%arg0: i32) -> (i32, i32) {
    %c0_i32 = arith.constant 0 : i32
    %c0_i32_0 = arith.constant 0 : i32
    return %arg0, %c0_i32 : i32, i32
  }
  func.func @transform_1(%arg0: i32) -> (i32, i32) {
    %c0_i32 = arith.constant 0 : i32
    %c0_i32_0 = arith.constant 0 : i32
    return %arg0, %c0_i32 : i32, i32
  }
  func.func @transform_2(%arg0: i32) -> (i32, i32) {
    %c0_i32 = arith.constant 0 : i32
    %c0_i32_0 = arith.constant 0 : i32
    %c0_i32_1 = arith.constant 0 : i32
    return %c0_i32, %c0_i32_0 : i32, i32
  }
}

module attributes {stable_mosaic.version = 14 : i64} {
  func.func @_final_body(%arg0: memref<2048x32xf32, #tpu.memory_space<vmem>>, %arg1: memref<32x1024xf32, #tpu.memory_space<vmem>>, %arg2: memref<512x128xf32, #tpu.memory_space<vmem>>, %arg3: memref<1x1xf32, #tpu.memory_space<vmem>>) attributes {dimension_semantics = [], scalar_prefetch = 0 : i64, scratch_operands = 0 : i64, tpu.core_type = #tpu.core_type<tc>} {
    %get3A = arith.constant 0 : index
    %get3A_0 = arith.constant 0 : index
    %get3A_1 = vector.load %arg0[%get3A, %get3A_0] : memref<2048x32xf32, #tpu.memory_space<vmem>>, vector<2048x32xf32>
    %slice3A = vector.extract_strided_slice %get3A_1 {offsets = [0, 0], sizes = [1024, 32], strides = [1, 1]} : vector<2048x32xf32> to vector<1024x32xf32>
    %slice3A_2 = vector.extract_strided_slice %get3A_1 {offsets = [1024, 0], sizes = [1024, 32], strides = [1, 1]} : vector<2048x32xf32> to vector<1024x32xf32>
    %add3A = arith.addf %slice3A, %slice3A_2 : vector<1024x32xf32>
    %reshape3A = vector.shape_cast %add3A : vector<1024x32xf32> to vector<4x256x32xf32>
    %get3A_3 = arith.constant 0 : index
    %get3A_4 = arith.constant 0 : index
    %get3A_5 = vector.load %arg1[%get3A_3, %get3A_4] : memref<32x1024xf32, #tpu.memory_space<vmem>>, vector<32x1024xf32>
    %transpose3A = tpu.transpose %get3A_5, [1, 0] : vector<32x1024xf32> -> vector<1024x32xf32>
    %reduce_sum3A = arith.constant dense<0.000000e+00> : vector<1024xf32>
    %reduce_sum3A_6 = vector.multi_reduction <add>, %transpose3A, %reduce_sum3A [1] : vector<1024x32xf32> to vector<1024xf32>
    %reshape3A_7 = vector.shape_cast %reduce_sum3A_6 : vector<1024xf32> to vector<4x256xf32>
    %get3A_8 = arith.constant 0 : index
    %get3A_9 = arith.constant 0 : index
    %get3A_10 = vector.load %arg2[%get3A_8, %get3A_9] : memref<512x128xf32, #tpu.memory_space<vmem>>, vector<512x128xf32>
    %broadcast_in_dim3A = arith.constant 0.000000e+00 : f32
    %broadcast_in_dim3A_11 = vector.broadcast %broadcast_in_dim3A : f32 to vector<32x32xf32>
    %slice3A_12 = vector.extract_strided_slice %get3A_10 {offsets = [0, 0], sizes = [32, 32], strides = [1, 1]} : vector<512x128xf32> to vector<32x32xf32>
    %add3A_13 = arith.addf %broadcast_in_dim3A_11, %slice3A_12 : vector<32x32xf32>
    %slice3A_14 = vector.extract_strided_slice %get3A_10 {offsets = [32, 32], sizes = [32, 32], strides = [1, 1]} : vector<512x128xf32> to vector<32x32xf32>
    %add3A_15 = arith.addf %add3A_13, %slice3A_14 : vector<32x32xf32>
    %slice3A_16 = vector.extract_strided_slice %get3A_10 {offsets = [64, 64], sizes = [32, 32], strides = [1, 1]} : vector<512x128xf32> to vector<32x32xf32>
    %add3A_17 = arith.addf %add3A_15, %slice3A_16 : vector<32x32xf32>
    %slice3A_18 = vector.extract_strided_slice %get3A_10 {offsets = [96, 96], sizes = [32, 32], strides = [1, 1]} : vector<512x128xf32> to vector<32x32xf32>
    %add3A_19 = arith.addf %add3A_17, %slice3A_18 : vector<32x32xf32>
    %broadcast_in_dim3A_20 = arith.constant 0.000000e+00 : f32
    %broadcast_in_dim3A_21 = vector.broadcast %broadcast_in_dim3A_20 : f32 to vector<32x32xf32>
    %slice3A_22 = vector.extract_strided_slice %get3A_10 {offsets = [128, 0], sizes = [32, 32], strides = [1, 1]} : vector<512x128xf32> to vector<32x32xf32>
    %add3A_23 = arith.addf %broadcast_in_dim3A_21, %slice3A_22 : vector<32x32xf32>
    %slice3A_24 = vector.extract_strided_slice %get3A_10 {offsets = [160, 32], sizes = [32, 32], strides = [1, 1]} : vector<512x128xf32> to vector<32x32xf32>
    %add3A_25 = arith.addf %add3A_23, %slice3A_24 : vector<32x32xf32>
    %slice3A_26 = vector.extract_strided_slice %get3A_10 {offsets = [192, 64], sizes = [32, 32], strides = [1, 1]} : vector<512x128xf32> to vector<32x32xf32>
    %add3A_27 = arith.addf %add3A_25, %slice3A_26 : vector<32x32xf32>
    %slice3A_28 = vector.extract_strided_slice %get3A_10 {offsets = [224, 96], sizes = [32, 32], strides = [1, 1]} : vector<512x128xf32> to vector<32x32xf32>
    %add3A_29 = arith.addf %add3A_27, %slice3A_28 : vector<32x32xf32>
    %broadcast_in_dim3A_30 = arith.constant 0.000000e+00 : f32
    %broadcast_in_dim3A_31 = vector.broadcast %broadcast_in_dim3A_30 : f32 to vector<32x32xf32>
    %slice3A_32 = vector.extract_strided_slice %get3A_10 {offsets = [256, 0], sizes = [32, 32], strides = [1, 1]} : vector<512x128xf32> to vector<32x32xf32>
    %add3A_33 = arith.addf %broadcast_in_dim3A_31, %slice3A_32 : vector<32x32xf32>
    %slice3A_34 = vector.extract_strided_slice %get3A_10 {offsets = [288, 32], sizes = [32, 32], strides = [1, 1]} : vector<512x128xf32> to vector<32x32xf32>
    %add3A_35 = arith.addf %add3A_33, %slice3A_34 : vector<32x32xf32>
    %slice3A_36 = vector.extract_strided_slice %get3A_10 {offsets = [320, 64], sizes = [32, 32], strides = [1, 1]} : vector<512x128xf32> to vector<32x32xf32>
    %add3A_37 = arith.addf %add3A_35, %slice3A_36 : vector<32x32xf32>
    %slice3A_38 = vector.extract_strided_slice %get3A_10 {offsets = [352, 96], sizes = [32, 32], strides = [1, 1]} : vector<512x128xf32> to vector<32x32xf32>
    %add3A_39 = arith.addf %add3A_37, %slice3A_38 : vector<32x32xf32>
    %broadcast_in_dim3A_40 = arith.constant 0.000000e+00 : f32
    %broadcast_in_dim3A_41 = vector.broadcast %broadcast_in_dim3A_40 : f32 to vector<32x32xf32>
    %slice3A_42 = vector.extract_strided_slice %get3A_10 {offsets = [384, 0], sizes = [32, 32], strides = [1, 1]} : vector<512x128xf32> to vector<32x32xf32>
    %add3A_43 = arith.addf %broadcast_in_dim3A_41, %slice3A_42 : vector<32x32xf32>
    %slice3A_44 = vector.extract_strided_slice %get3A_10 {offsets = [416, 32], sizes = [32, 32], strides = [1, 1]} : vector<512x128xf32> to vector<32x32xf32>
    %add3A_45 = arith.addf %add3A_43, %slice3A_44 : vector<32x32xf32>
    %slice3A_46 = vector.extract_strided_slice %get3A_10 {offsets = [448, 64], sizes = [32, 32], strides = [1, 1]} : vector<512x128xf32> to vector<32x32xf32>
    %add3A_47 = arith.addf %add3A_45, %slice3A_46 : vector<32x32xf32>
    %slice3A_48 = vector.extract_strided_slice %get3A_10 {offsets = [480, 96], sizes = [32, 32], strides = [1, 1]} : vector<512x128xf32> to vector<32x32xf32>
    %add3A_49 = arith.addf %add3A_47, %slice3A_48 : vector<32x32xf32>
    %gt3A = arith.constant 0.000000e+00 : f32
    %gt3A_50 = vector.broadcast %gt3A : f32 to vector<4x256xf32>
    %gt3A_51 = arith.cmpf ogt, %reshape3A_7, %gt3A_50 : vector<4x256xf32>
    %broadcast_in_dim3A_52 = vector.shape_cast %gt3A_51 : vector<4x256xi1> to vector<4x256x1xi1>
    %max3A = arith.constant 1.000000e+00 : f32
    %max3A_53 = vector.broadcast %max3A : f32 to vector<4x256xf32>
    %max3A_54 = arith.maximumf %reshape3A_7, %max3A_53 : vector<4x256xf32>
    %broadcast_in_dim3A_55 = vector.shape_cast %max3A_54 : vector<4x256xf32> to vector<4x256x1xf32>
    %div3A = vector.broadcast %broadcast_in_dim3A_55 : vector<4x256x1xf32> to vector<4x256x32xf32>
    %div3A_56 = arith.divf %reshape3A, %div3A : vector<4x256x32xf32>
    %jit3A = arith.constant 0.000000e+00 : f32
    %broadcast_in_dim3A_57 = vector.shape_cast %broadcast_in_dim3A_52 : vector<4x256x1xi1> to vector<4x256x1xi1>
    %broadcast_in_dim3A_58 = vector.broadcast %broadcast_in_dim3A_57 : vector<4x256x1xi1> to vector<4x256x32xi1>
    %broadcast_in_dim3A_59 = vector.broadcast %jit3A : f32 to vector<4x256x32xf32>
    %select_n3A = arith.select %broadcast_in_dim3A_58, %div3A_56, %broadcast_in_dim3A_59 : vector<4x256x32xi1>, vector<4x256x32xf32>
    %broadcast_in_dim3A_60 = vector.shape_cast %gt3A_51 : vector<4x256xi1> to vector<4x256x1xi1>
    %mul3A = arith.constant 1.000000e-01 : f32
    %mul3A_61 = vector.broadcast %mul3A : f32 to vector<4x256x32xf32>
    %mul3A_62 = arith.mulf %mul3A_61, %select_n3A : vector<4x256x32xf32>
    %jit3A_63 = arith.constant 0.000000e+00 : f32
    %broadcast_in_dim3A_64 = vector.shape_cast %broadcast_in_dim3A_60 : vector<4x256x1xi1> to vector<4x256x1xi1>
    %broadcast_in_dim3A_65 = vector.broadcast %broadcast_in_dim3A_64 : vector<4x256x1xi1> to vector<4x256x32xi1>
    %broadcast_in_dim3A_66 = vector.broadcast %jit3A_63 : f32 to vector<4x256x32xf32>
    %select_n3A_67 = arith.select %broadcast_in_dim3A_65, %mul3A_62, %broadcast_in_dim3A_66 : vector<4x256x32xi1>, vector<4x256x32xf32>
    %broadcast_in_dim3A_68 = arith.constant 0.000000e+00 : f32
    %broadcast_in_dim3A_69 = vector.broadcast %broadcast_in_dim3A_68 : f32 to vector<256x32xf32>
    %mul3A_70 = arith.constant 0.899999976 : f32
    %mul3A_71 = vector.broadcast %mul3A_70 : f32 to vector<256x32xf32>
    %mul3A_72 = arith.mulf %mul3A_71, %broadcast_in_dim3A_69 : vector<256x32xf32>
    %slice3A_73 = vector.extract_strided_slice %select_n3A {offsets = [0, 0, 0], sizes = [1, 256, 32], strides = [1, 1, 1]} : vector<4x256x32xf32> to vector<1x256x32xf32>
    %squeeze3A = vector.shape_cast %slice3A_73 : vector<1x256x32xf32> to vector<256x32xf32>
    %mul3A_74 = arith.constant 1.000000e-01 : f32
    %mul3A_75 = vector.broadcast %mul3A_74 : f32 to vector<256x32xf32>
    %mul3A_76 = arith.mulf %mul3A_75, %squeeze3A : vector<256x32xf32>
    %add3A_77 = arith.addf %mul3A_72, %mul3A_76 : vector<256x32xf32>
    %slice3A_78 = vector.extract_strided_slice %gt3A_51 {offsets = [0, 0], sizes = [1, 256], strides = [1, 1]} : vector<4x256xi1> to vector<1x256xi1>
    %squeeze3A_79 = vector.shape_cast %slice3A_78 : vector<1x256xi1> to vector<256xi1>
    %broadcast_in_dim3A_80 = vector.shape_cast %squeeze3A_79 : vector<256xi1> to vector<256x1xi1>
    %broadcast_in_dim3A_81 = vector.shape_cast %broadcast_in_dim3A_80 : vector<256x1xi1> to vector<256x1xi1>
    %broadcast_in_dim3A_82 = vector.broadcast %broadcast_in_dim3A_81 : vector<256x1xi1> to vector<256x32xi1>
    %select_n3A_83 = arith.select %broadcast_in_dim3A_82, %add3A_77, %broadcast_in_dim3A_69 : vector<256x32xi1>, vector<256x32xf32>
    %mul3A_84 = arith.constant 0.899999976 : f32
    %mul3A_85 = vector.broadcast %mul3A_84 : f32 to vector<256x32xf32>
    %mul3A_86 = arith.mulf %mul3A_85, %select_n3A_83 : vector<256x32xf32>
    %slice3A_87 = vector.extract_strided_slice %select_n3A {offsets = [1, 0, 0], sizes = [1, 256, 32], strides = [1, 1, 1]} : vector<4x256x32xf32> to vector<1x256x32xf32>
    %squeeze3A_88 = vector.shape_cast %slice3A_87 : vector<1x256x32xf32> to vector<256x32xf32>
    %mul3A_89 = arith.constant 1.000000e-01 : f32
    %mul3A_90 = vector.broadcast %mul3A_89 : f32 to vector<256x32xf32>
    %mul3A_91 = arith.mulf %mul3A_90, %squeeze3A_88 : vector<256x32xf32>
    %add3A_92 = arith.addf %mul3A_86, %mul3A_91 : vector<256x32xf32>
    %slice3A_93 = vector.extract_strided_slice %gt3A_51 {offsets = [1, 0], sizes = [1, 256], strides = [1, 1]} : vector<4x256xi1> to vector<1x256xi1>
    %squeeze3A_94 = vector.shape_cast %slice3A_93 : vector<1x256xi1> to vector<256xi1>
    %broadcast_in_dim3A_95 = vector.shape_cast %squeeze3A_94 : vector<256xi1> to vector<256x1xi1>
    %broadcast_in_dim3A_96 = vector.shape_cast %broadcast_in_dim3A_95 : vector<256x1xi1> to vector<256x1xi1>
    %broadcast_in_dim3A_97 = vector.broadcast %broadcast_in_dim3A_96 : vector<256x1xi1> to vector<256x32xi1>
    %select_n3A_98 = arith.select %broadcast_in_dim3A_97, %add3A_92, %select_n3A_83 : vector<256x32xi1>, vector<256x32xf32>
    %mul3A_99 = arith.constant 0.899999976 : f32
    %mul3A_100 = vector.broadcast %mul3A_99 : f32 to vector<256x32xf32>
    %mul3A_101 = arith.mulf %mul3A_100, %select_n3A_98 : vector<256x32xf32>
    %slice3A_102 = vector.extract_strided_slice %select_n3A {offsets = [2, 0, 0], sizes = [1, 256, 32], strides = [1, 1, 1]} : vector<4x256x32xf32> to vector<1x256x32xf32>
    %squeeze3A_103 = vector.shape_cast %slice3A_102 : vector<1x256x32xf32> to vector<256x32xf32>
    %mul3A_104 = arith.constant 1.000000e-01 : f32
    %mul3A_105 = vector.broadcast %mul3A_104 : f32 to vector<256x32xf32>
    %mul3A_106 = arith.mulf %mul3A_105, %squeeze3A_103 : vector<256x32xf32>
    %add3A_107 = arith.addf %mul3A_101, %mul3A_106 : vector<256x32xf32>
    %slice3A_108 = vector.extract_strided_slice %gt3A_51 {offsets = [2, 0], sizes = [1, 256], strides = [1, 1]} : vector<4x256xi1> to vector<1x256xi1>
    %squeeze3A_109 = vector.shape_cast %slice3A_108 : vector<1x256xi1> to vector<256xi1>
    %broadcast_in_dim3A_110 = vector.shape_cast %squeeze3A_109 : vector<256xi1> to vector<256x1xi1>
    %broadcast_in_dim3A_111 = vector.shape_cast %broadcast_in_dim3A_110 : vector<256x1xi1> to vector<256x1xi1>
    %broadcast_in_dim3A_112 = vector.broadcast %broadcast_in_dim3A_111 : vector<256x1xi1> to vector<256x32xi1>
    %select_n3A_113 = arith.select %broadcast_in_dim3A_112, %add3A_107, %select_n3A_98 : vector<256x32xi1>, vector<256x32xf32>
    %mul3A_114 = arith.constant 0.899999976 : f32
    %mul3A_115 = vector.broadcast %mul3A_114 : f32 to vector<256x32xf32>
    %mul3A_116 = arith.mulf %mul3A_115, %select_n3A_113 : vector<256x32xf32>
    %slice3A_117 = vector.extract_strided_slice %select_n3A {offsets = [3, 0, 0], sizes = [1, 256, 32], strides = [1, 1, 1]} : vector<4x256x32xf32> to vector<1x256x32xf32>
    %squeeze3A_118 = vector.shape_cast %slice3A_117 : vector<1x256x32xf32> to vector<256x32xf32>
    %mul3A_119 = arith.constant 1.000000e-01 : f32
    %mul3A_120 = vector.broadcast %mul3A_119 : f32 to vector<256x32xf32>
    %mul3A_121 = arith.mulf %mul3A_120, %squeeze3A_118 : vector<256x32xf32>
    %add3A_122 = arith.addf %mul3A_116, %mul3A_121 : vector<256x32xf32>
    %slice3A_123 = vector.extract_strided_slice %gt3A_51 {offsets = [3, 0], sizes = [1, 256], strides = [1, 1]} : vector<4x256xi1> to vector<1x256xi1>
    %squeeze3A_124 = vector.shape_cast %slice3A_123 : vector<1x256xi1> to vector<256xi1>
    %broadcast_in_dim3A_125 = vector.shape_cast %squeeze3A_124 : vector<256xi1> to vector<256x1xi1>
    %broadcast_in_dim3A_126 = vector.shape_cast %broadcast_in_dim3A_125 : vector<256x1xi1> to vector<256x1xi1>
    %broadcast_in_dim3A_127 = vector.broadcast %broadcast_in_dim3A_126 : vector<256x1xi1> to vector<256x32xi1>
    %select_n3A_128 = arith.select %broadcast_in_dim3A_127, %add3A_122, %select_n3A_113 : vector<256x32xi1>, vector<256x32xf32>
    %reduce_sum3A_129 = arith.constant dense<0.000000e+00> : vector<256xf32>
    %reduce_sum3A_130 = vector.multi_reduction <add>, %reshape3A_7, %reduce_sum3A_129 [0] : vector<4x256xf32> to vector<256xf32>
    %reduce_sum3A_131 = arith.constant dense<0.000000e+00> : vector<256x32xf32>
    %reduce_sum3A_132 = vector.multi_reduction <add>, %reshape3A, %reduce_sum3A_131 [0] : vector<4x256x32xf32> to vector<256x32xf32>
    %reduce_sum3A_133 = arith.constant dense<0.000000e+00> : vector<32xf32>
    %reduce_sum3A_134 = vector.multi_reduction <add>, %reduce_sum3A_132, %reduce_sum3A_133 [0] : vector<256x32xf32> to vector<32xf32>
    %div3A_135 = arith.constant 1.000000e+06 : f32
    %div3A_136 = vector.broadcast %div3A_135 : f32 to vector<32xf32>
    %div3A_137 = arith.divf %reduce_sum3A_134, %div3A_136 : vector<32xf32>
    %broadcast_in_dim3A_138 = vector.shape_cast %div3A_137 : vector<32xf32> to vector<32x1xf32>
    %mul3A_139 = arith.constant 1.000000e+06 : f32
    %mul3A_140 = vector.broadcast %mul3A_139 : f32 to vector<32x1xf32>
    %mul3A_141 = arith.mulf %mul3A_140, %broadcast_in_dim3A_138 : vector<32x1xf32>
    %broadcast_in_dim3A_142 = vector.shape_cast %div3A_137 : vector<32xf32> to vector<1x32xf32>
    %mul3A_143 = vector.broadcast %mul3A_141 : vector<32x1xf32> to vector<32x32xf32>
    %mul3A_144 = vector.broadcast %broadcast_in_dim3A_142 : vector<1x32xf32> to vector<32x32xf32>
    %mul3A_145 = arith.mulf %mul3A_143, %mul3A_144 : vector<32x32xf32>
    %sub3A = arith.subf %add3A_19, %mul3A_145 : vector<32x32xf32>
    %add3A_146 = arith.constant 1.000000e+06 : f32
    %add3A_147 = arith.constant 9.99999997E-7 : f32
    %add3A_148 = arith.addf %add3A_146, %add3A_147 : f32
    %div3A_149 = vector.broadcast %add3A_148 : f32 to vector<32x32xf32>
    %div3A_150 = arith.divf %sub3A, %div3A_149 : vector<32x32xf32>
    %mul3A_151 = arith.constant 1.000000e-01 : f32
    %mul3A_152 = vector.broadcast %mul3A_151 : f32 to vector<32xf32>
    %mul3A_153 = arith.mulf %mul3A_152, %div3A_137 : vector<32xf32>
    %iota3A = tpu.iota {dimensions = array<i32: 0>} : vector<32x32xi32>
    %iota3A_154 = tpu.iota {dimensions = array<i32: 1>} : vector<32x32xi32>
    %eq3A = arith.cmpi eq, %iota3A, %iota3A_154 : vector<32x32xi32>
    %convert_element_type3A = arith.extui %eq3A : vector<32x32xi1> to vector<32x32xi32>
    %convert_element_type3A_155 = arith.sitofp %convert_element_type3A : vector<32x32xi32> to vector<32x32xf32>
    %mul3A_156 = arith.constant 0.899999976 : f32
    %mul3A_157 = vector.broadcast %mul3A_156 : f32 to vector<32x32xf32>
    %mul3A_158 = arith.mulf %mul3A_157, %convert_element_type3A_155 : vector<32x32xf32>
    %mul3A_159 = arith.constant 1.000000e-01 : f32
    %mul3A_160 = vector.broadcast %mul3A_159 : f32 to vector<32x32xf32>
    %mul3A_161 = arith.mulf %mul3A_160, %div3A_150 : vector<32x32xf32>
    %add3A_162 = arith.addf %mul3A_158, %mul3A_161 : vector<32x32xf32>
    %gt3A_163 = arith.constant 0.000000e+00 : f32
    %gt3A_164 = vector.broadcast %gt3A_163 : f32 to vector<256xf32>
    %gt3A_165 = arith.cmpf ogt, %reduce_sum3A_130, %gt3A_164 : vector<256xf32>
    %broadcast_in_dim3A_166 = vector.shape_cast %gt3A_165 : vector<256xi1> to vector<1x256xi1>
    %and3A = vector.broadcast %broadcast_in_dim3A_166 : vector<1x256xi1> to vector<4x256xi1>
    %and3A_167 = arith.andi %gt3A_51, %and3A : vector<4x256xi1>
    %broadcast_in_dim3A_168 = vector.shape_cast %select_n3A_128 : vector<256x32xf32> to vector<1x256x32xf32>
    %sub3A_169 = vector.broadcast %broadcast_in_dim3A_168 : vector<1x256x32xf32> to vector<4x256x32xf32>
    %sub3A_170 = arith.subf %select_n3A_67, %sub3A_169 : vector<4x256x32xf32>
    %integer_pow3A = arith.mulf %sub3A_170, %sub3A_170 : vector<4x256x32xf32>
    %reduce_sum3A_171 = arith.constant dense<0.000000e+00> : vector<4x256xf32>
    %reduce_sum3A_172 = vector.multi_reduction <add>, %integer_pow3A, %reduce_sum3A_171 [2] : vector<4x256x32xf32> to vector<4x256xf32>
    %div3A_173 = arith.constant 3.200000e+01 : f32
    %div3A_174 = vector.broadcast %div3A_173 : f32 to vector<4x256xf32>
    %div3A_175 = arith.divf %reduce_sum3A_172, %div3A_174 : vector<4x256xf32>
    %convert_element_type3A_176 = arith.extui %and3A_167 : vector<4x256xi1> to vector<4x256xi32>
    %reduce_sum3A_177 = vector.shape_cast %convert_element_type3A_176 : vector<4x256xi32> to vector<1x4x256xi32>
    %reduce_sum3A_178 = arith.constant dense<0> : vector<1xi32>
    %reduce_sum3A_179 = vector.multi_reduction <add>, %reduce_sum3A_177, %reduce_sum3A_178 [1, 2] : vector<1x4x256xi32> to vector<1xi32>
    %reduce_sum3A_180 = vector.shape_cast %reduce_sum3A_179 : vector<1xi32> to vector<1x1x1xi32>
    %reduce_sum3A_181 = vector.extract %reduce_sum3A_180[0, 0, 0] : i32 from vector<1x1x1xi32>
    %gt3A_182 = arith.constant 0 : i32
    %gt3A_183 = arith.cmpi sgt, %reduce_sum3A_181, %gt3A_182 : i32
    %jit3A_184 = arith.constant 0.000000e+00 : f32
    %broadcast_in_dim3A_185 = vector.broadcast %jit3A_184 : f32 to vector<4x256xf32>
    %select_n3A_186 = arith.select %and3A_167, %div3A_175, %broadcast_in_dim3A_185 : vector<4x256xi1>, vector<4x256xf32>
    %reduce_sum3A_187 = vector.shape_cast %select_n3A_186 : vector<4x256xf32> to vector<1x4x256xf32>
    %reduce_sum3A_188 = arith.constant dense<0.000000e+00> : vector<1xf32>
    %reduce_sum3A_189 = vector.multi_reduction <add>, %reduce_sum3A_187, %reduce_sum3A_188 [1, 2] : vector<1x4x256xf32> to vector<1xf32>
    %reduce_sum3A_190 = vector.shape_cast %reduce_sum3A_189 : vector<1xf32> to vector<1x1x1xf32>
    %reduce_sum3A_191 = vector.extract %reduce_sum3A_190[0, 0, 0] : f32 from vector<1x1x1xf32>
    %max3A_192 = arith.constant 1 : i32
    %max3A_193 = arith.maxsi %reduce_sum3A_181, %max3A_192 : i32
    %convert_element_type3A_194 = arith.sitofp %max3A_193 : i32 to f32
    %div3A_195 = arith.divf %reduce_sum3A_191, %convert_element_type3A_194 : f32
    %jit3A_196 = arith.constant 0.000000e+00 : f32
    %select_n3A_197 = arith.select %gt3A_183, %div3A_195, %jit3A_196 : f32
    %slice3A_198 = vector.extract_strided_slice %reshape3A_7 {offsets = [0, 0], sizes = [1, 256], strides = [1, 1]} : vector<4x256xf32> to vector<1x256xf32>
    %squeeze3A_199 = vector.shape_cast %slice3A_198 : vector<1x256xf32> to vector<256xf32>
    %reduce_sum3A_200 = vector.shape_cast %squeeze3A_199 : vector<256xf32> to vector<1x256xf32>
    %reduce_sum3A_201 = arith.constant dense<0.000000e+00> : vector<1xf32>
    %reduce_sum3A_202 = vector.multi_reduction <add>, %reduce_sum3A_200, %reduce_sum3A_201 [1] : vector<1x256xf32> to vector<1xf32>
    %reduce_sum3A_203 = vector.shape_cast %reduce_sum3A_202 : vector<1xf32> to vector<1x1xf32>
    %reduce_sum3A_204 = vector.extract %reduce_sum3A_203[0, 0] : f32 from vector<1x1xf32>
    %slice3A_205 = vector.extract_strided_slice %reshape3A {offsets = [0, 0, 0], sizes = [1, 256, 32], strides = [1, 1, 1]} : vector<4x256x32xf32> to vector<1x256x32xf32>
    %squeeze3A_206 = vector.shape_cast %slice3A_205 : vector<1x256x32xf32> to vector<256x32xf32>
    %reduce_sum3A_207 = arith.constant dense<0.000000e+00> : vector<32xf32>
    %reduce_sum3A_208 = vector.multi_reduction <add>, %squeeze3A_206, %reduce_sum3A_207 [0] : vector<256x32xf32> to vector<32xf32>
    %max3A_209 = arith.constant 1.000000e+00 : f32
    %max3A_210 = arith.maximumf %reduce_sum3A_204, %max3A_209 : f32
    %div3A_211 = vector.broadcast %max3A_210 : f32 to vector<32xf32>
    %div3A_212 = arith.divf %reduce_sum3A_208, %div3A_211 : vector<32xf32>
    %mul3A_213 = arith.constant 1.000000e+00 : f32
    %mul3A_214 = vector.broadcast %mul3A_213 : f32 to vector<32x32xf32>
    %mul3A_215 = arith.mulf %mul3A_214, %add3A_29 : vector<32x32xf32>
    %add3A_216 = arith.addf %add3A_19, %mul3A_215 : vector<32x32xf32>
    %mul3A_217 = arith.constant 1.000000e+00 : f32
    %mul3A_218 = vector.broadcast %mul3A_217 : f32 to vector<32x32xf32>
    %mul3A_219 = arith.mulf %mul3A_218, %add3A_39 : vector<32x32xf32>
    %add3A_220 = arith.addf %add3A_216, %mul3A_219 : vector<32x32xf32>
    %mul3A_221 = arith.constant 1.000000e+00 : f32
    %mul3A_222 = vector.broadcast %mul3A_221 : f32 to vector<32x32xf32>
    %mul3A_223 = arith.mulf %mul3A_222, %add3A_49 : vector<32x32xf32>
    %add3A_224 = arith.addf %add3A_220, %mul3A_223 : vector<32x32xf32>
    %mul3A_225 = arith.constant 2.500000e-01 : f32
    %mul3A_226 = vector.broadcast %mul3A_225 : f32 to vector<32x32xf32>
    %mul3A_227 = arith.mulf %mul3A_226, %add3A_224 : vector<32x32xf32>
    %broadcast_in_dim3A_228 = vector.shape_cast %div3A_212 : vector<32xf32> to vector<32x1xf32>
    %mul3A_229 = vector.broadcast %reduce_sum3A_204 : f32 to vector<32x1xf32>
    %mul3A_230 = arith.mulf %mul3A_229, %broadcast_in_dim3A_228 : vector<32x1xf32>
    %broadcast_in_dim3A_231 = vector.shape_cast %div3A_212 : vector<32xf32> to vector<1x32xf32>
    %mul3A_232 = vector.broadcast %mul3A_230 : vector<32x1xf32> to vector<32x32xf32>
    %mul3A_233 = vector.broadcast %broadcast_in_dim3A_231 : vector<1x32xf32> to vector<32x32xf32>
    %mul3A_234 = arith.mulf %mul3A_232, %mul3A_233 : vector<32x32xf32>
    %sub3A_235 = arith.subf %mul3A_227, %mul3A_234 : vector<32x32xf32>
    %add3A_236 = arith.constant 9.99999997E-7 : f32
    %add3A_237 = arith.addf %reduce_sum3A_204, %add3A_236 : f32
    %div3A_238 = vector.broadcast %add3A_237 : f32 to vector<32x32xf32>
    %div3A_239 = arith.divf %sub3A_235, %div3A_238 : vector<32x32xf32>
    %sub3A_240 = arith.subf %div3A_212, %mul3A_153 : vector<32xf32>
    %integer_pow3A_241 = arith.mulf %sub3A_240, %sub3A_240 : vector<32xf32>
    %reduce_sum3A_242 = vector.shape_cast %integer_pow3A_241 : vector<32xf32> to vector<1x32xf32>
    %reduce_sum3A_243 = arith.constant dense<0.000000e+00> : vector<1xf32>
    %reduce_sum3A_244 = vector.multi_reduction <add>, %reduce_sum3A_242, %reduce_sum3A_243 [1] : vector<1x32xf32> to vector<1xf32>
    %reduce_sum3A_245 = vector.shape_cast %reduce_sum3A_244 : vector<1xf32> to vector<1x1xf32>
    %reduce_sum3A_246 = vector.extract %reduce_sum3A_245[0, 0] : f32 from vector<1x1xf32>
    %div3A_247 = arith.constant 3.200000e+01 : f32
    %div3A_248 = arith.divf %reduce_sum3A_246, %div3A_247 : f32
    %sub3A_249 = arith.subf %div3A_239, %add3A_162 : vector<32x32xf32>
    %integer_pow3A_250 = arith.mulf %sub3A_249, %sub3A_249 : vector<32x32xf32>
    %reduce_sum3A_251 = vector.shape_cast %integer_pow3A_250 : vector<32x32xf32> to vector<1x32x32xf32>
    %reduce_sum3A_252 = arith.constant dense<0.000000e+00> : vector<1xf32>
    %reduce_sum3A_253 = vector.multi_reduction <add>, %reduce_sum3A_251, %reduce_sum3A_252 [1, 2] : vector<1x32x32xf32> to vector<1xf32>
    %reduce_sum3A_254 = vector.shape_cast %reduce_sum3A_253 : vector<1xf32> to vector<1x1x1xf32>
    %reduce_sum3A_255 = vector.extract %reduce_sum3A_254[0, 0, 0] : f32 from vector<1x1x1xf32>
    %div3A_256 = arith.constant 1.024000e+03 : f32
    %div3A_257 = arith.divf %reduce_sum3A_255, %div3A_256 : f32
    %add3A_258 = arith.addf %div3A_248, %div3A_257 : f32
    %gt3A_259 = arith.constant 0.000000e+00 : f32
    %gt3A_260 = arith.cmpf ogt, %reduce_sum3A_204, %gt3A_259 : f32
    %convert_element_type3A_261 = arith.extui %gt3A_260 : i1 to i32
    %convert_element_type3A_262 = arith.sitofp %convert_element_type3A_261 : i32 to f32
    %mul3A_263 = arith.mulf %convert_element_type3A_262, %add3A_258 : f32
    %add3A_264 = arith.constant 0.000000e+00 : f32
    %add3A_265 = arith.addf %add3A_264, %mul3A_263 : f32
    %add3A_266 = arith.constant 0.000000e+00 : f32
    %add3A_267 = arith.addf %add3A_266, %convert_element_type3A_262 : f32
    %slice3A_268 = vector.extract_strided_slice %reshape3A_7 {offsets = [1, 0], sizes = [1, 256], strides = [1, 1]} : vector<4x256xf32> to vector<1x256xf32>
    %squeeze3A_269 = vector.shape_cast %slice3A_268 : vector<1x256xf32> to vector<256xf32>
    %reduce_sum3A_270 = vector.shape_cast %squeeze3A_269 : vector<256xf32> to vector<1x256xf32>
    %reduce_sum3A_271 = arith.constant dense<0.000000e+00> : vector<1xf32>
    %reduce_sum3A_272 = vector.multi_reduction <add>, %reduce_sum3A_270, %reduce_sum3A_271 [1] : vector<1x256xf32> to vector<1xf32>
    %reduce_sum3A_273 = vector.shape_cast %reduce_sum3A_272 : vector<1xf32> to vector<1x1xf32>
    %reduce_sum3A_274 = vector.extract %reduce_sum3A_273[0, 0] : f32 from vector<1x1xf32>
    %slice3A_275 = vector.extract_strided_slice %reshape3A {offsets = [1, 0, 0], sizes = [1, 256, 32], strides = [1, 1, 1]} : vector<4x256x32xf32> to vector<1x256x32xf32>
    %squeeze3A_276 = vector.shape_cast %slice3A_275 : vector<1x256x32xf32> to vector<256x32xf32>
    %reduce_sum3A_277 = arith.constant dense<0.000000e+00> : vector<32xf32>
    %reduce_sum3A_278 = vector.multi_reduction <add>, %squeeze3A_276, %reduce_sum3A_277 [0] : vector<256x32xf32> to vector<32xf32>
    %max3A_279 = arith.constant 1.000000e+00 : f32
    %max3A_280 = arith.maximumf %reduce_sum3A_274, %max3A_279 : f32
    %div3A_281 = vector.broadcast %max3A_280 : f32 to vector<32xf32>
    %div3A_282 = arith.divf %reduce_sum3A_278, %div3A_281 : vector<32xf32>
    %mul3A_283 = arith.constant -1.000000e+00 : f32
    %mul3A_284 = vector.broadcast %mul3A_283 : f32 to vector<32x32xf32>
    %mul3A_285 = arith.mulf %mul3A_284, %add3A_29 : vector<32x32xf32>
    %add3A_286 = arith.addf %add3A_19, %mul3A_285 : vector<32x32xf32>
    %mul3A_287 = arith.constant 1.000000e+00 : f32
    %mul3A_288 = vector.broadcast %mul3A_287 : f32 to vector<32x32xf32>
    %mul3A_289 = arith.mulf %mul3A_288, %add3A_39 : vector<32x32xf32>
    %add3A_290 = arith.addf %add3A_286, %mul3A_289 : vector<32x32xf32>
    %mul3A_291 = arith.constant -1.000000e+00 : f32
    %mul3A_292 = vector.broadcast %mul3A_291 : f32 to vector<32x32xf32>
    %mul3A_293 = arith.mulf %mul3A_292, %add3A_49 : vector<32x32xf32>
    %add3A_294 = arith.addf %add3A_290, %mul3A_293 : vector<32x32xf32>
    %mul3A_295 = arith.constant 2.500000e-01 : f32
    %mul3A_296 = vector.broadcast %mul3A_295 : f32 to vector<32x32xf32>
    %mul3A_297 = arith.mulf %mul3A_296, %add3A_294 : vector<32x32xf32>
    %broadcast_in_dim3A_298 = vector.shape_cast %div3A_282 : vector<32xf32> to vector<32x1xf32>
    %mul3A_299 = vector.broadcast %reduce_sum3A_274 : f32 to vector<32x1xf32>
    %mul3A_300 = arith.mulf %mul3A_299, %broadcast_in_dim3A_298 : vector<32x1xf32>
    %broadcast_in_dim3A_301 = vector.shape_cast %div3A_282 : vector<32xf32> to vector<1x32xf32>
    %mul3A_302 = vector.broadcast %mul3A_300 : vector<32x1xf32> to vector<32x32xf32>
    %mul3A_303 = vector.broadcast %broadcast_in_dim3A_301 : vector<1x32xf32> to vector<32x32xf32>
    %mul3A_304 = arith.mulf %mul3A_302, %mul3A_303 : vector<32x32xf32>
    %sub3A_305 = arith.subf %mul3A_297, %mul3A_304 : vector<32x32xf32>
    %add3A_306 = arith.constant 9.99999997E-7 : f32
    %add3A_307 = arith.addf %reduce_sum3A_274, %add3A_306 : f32
    %div3A_308 = vector.broadcast %add3A_307 : f32 to vector<32x32xf32>
    %div3A_309 = arith.divf %sub3A_305, %div3A_308 : vector<32x32xf32>
    %sub3A_310 = arith.subf %div3A_282, %mul3A_153 : vector<32xf32>
    %integer_pow3A_311 = arith.mulf %sub3A_310, %sub3A_310 : vector<32xf32>
    %reduce_sum3A_312 = vector.shape_cast %integer_pow3A_311 : vector<32xf32> to vector<1x32xf32>
    %reduce_sum3A_313 = arith.constant dense<0.000000e+00> : vector<1xf32>
    %reduce_sum3A_314 = vector.multi_reduction <add>, %reduce_sum3A_312, %reduce_sum3A_313 [1] : vector<1x32xf32> to vector<1xf32>
    %reduce_sum3A_315 = vector.shape_cast %reduce_sum3A_314 : vector<1xf32> to vector<1x1xf32>
    %reduce_sum3A_316 = vector.extract %reduce_sum3A_315[0, 0] : f32 from vector<1x1xf32>
    %div3A_317 = arith.constant 3.200000e+01 : f32
    %div3A_318 = arith.divf %reduce_sum3A_316, %div3A_317 : f32
    %sub3A_319 = arith.subf %div3A_309, %add3A_162 : vector<32x32xf32>
    %integer_pow3A_320 = arith.mulf %sub3A_319, %sub3A_319 : vector<32x32xf32>
    %reduce_sum3A_321 = vector.shape_cast %integer_pow3A_320 : vector<32x32xf32> to vector<1x32x32xf32>
    %reduce_sum3A_322 = arith.constant dense<0.000000e+00> : vector<1xf32>
    %reduce_sum3A_323 = vector.multi_reduction <add>, %reduce_sum3A_321, %reduce_sum3A_322 [1, 2] : vector<1x32x32xf32> to vector<1xf32>
    %reduce_sum3A_324 = vector.shape_cast %reduce_sum3A_323 : vector<1xf32> to vector<1x1x1xf32>
    %reduce_sum3A_325 = vector.extract %reduce_sum3A_324[0, 0, 0] : f32 from vector<1x1x1xf32>
    %div3A_326 = arith.constant 1.024000e+03 : f32
    %div3A_327 = arith.divf %reduce_sum3A_325, %div3A_326 : f32
    %add3A_328 = arith.addf %div3A_318, %div3A_327 : f32
    %gt3A_329 = arith.constant 0.000000e+00 : f32
    %gt3A_330 = arith.cmpf ogt, %reduce_sum3A_274, %gt3A_329 : f32
    %convert_element_type3A_331 = arith.extui %gt3A_330 : i1 to i32
    %convert_element_type3A_332 = arith.sitofp %convert_element_type3A_331 : i32 to f32
    %mul3A_333 = arith.mulf %convert_element_type3A_332, %add3A_328 : f32
    %add3A_334 = arith.addf %add3A_265, %mul3A_333 : f32
    %add3A_335 = arith.addf %add3A_267, %convert_element_type3A_332 : f32
    %slice3A_336 = vector.extract_strided_slice %reshape3A_7 {offsets = [2, 0], sizes = [1, 256], strides = [1, 1]} : vector<4x256xf32> to vector<1x256xf32>
    %squeeze3A_337 = vector.shape_cast %slice3A_336 : vector<1x256xf32> to vector<256xf32>
    %reduce_sum3A_338 = vector.shape_cast %squeeze3A_337 : vector<256xf32> to vector<1x256xf32>
    %reduce_sum3A_339 = arith.constant dense<0.000000e+00> : vector<1xf32>
    %reduce_sum3A_340 = vector.multi_reduction <add>, %reduce_sum3A_338, %reduce_sum3A_339 [1] : vector<1x256xf32> to vector<1xf32>
    %reduce_sum3A_341 = vector.shape_cast %reduce_sum3A_340 : vector<1xf32> to vector<1x1xf32>
    %reduce_sum3A_342 = vector.extract %reduce_sum3A_341[0, 0] : f32 from vector<1x1xf32>
    %slice3A_343 = vector.extract_strided_slice %reshape3A {offsets = [2, 0, 0], sizes = [1, 256, 32], strides = [1, 1, 1]} : vector<4x256x32xf32> to vector<1x256x32xf32>
    %squeeze3A_344 = vector.shape_cast %slice3A_343 : vector<1x256x32xf32> to vector<256x32xf32>
    %reduce_sum3A_345 = arith.constant dense<0.000000e+00> : vector<32xf32>
    %reduce_sum3A_346 = vector.multi_reduction <add>, %squeeze3A_344, %reduce_sum3A_345 [0] : vector<256x32xf32> to vector<32xf32>
    %max3A_347 = arith.constant 1.000000e+00 : f32
    %max3A_348 = arith.maximumf %reduce_sum3A_342, %max3A_347 : f32
    %div3A_349 = vector.broadcast %max3A_348 : f32 to vector<32xf32>
    %div3A_350 = arith.divf %reduce_sum3A_346, %div3A_349 : vector<32xf32>
    %mul3A_351 = arith.constant 1.000000e+00 : f32
    %mul3A_352 = vector.broadcast %mul3A_351 : f32 to vector<32x32xf32>
    %mul3A_353 = arith.mulf %mul3A_352, %add3A_29 : vector<32x32xf32>
    %add3A_354 = arith.addf %add3A_19, %mul3A_353 : vector<32x32xf32>
    %mul3A_355 = arith.constant -1.000000e+00 : f32
    %mul3A_356 = vector.broadcast %mul3A_355 : f32 to vector<32x32xf32>
    %mul3A_357 = arith.mulf %mul3A_356, %add3A_39 : vector<32x32xf32>
    %add3A_358 = arith.addf %add3A_354, %mul3A_357 : vector<32x32xf32>
    %mul3A_359 = arith.constant -1.000000e+00 : f32
    %mul3A_360 = vector.broadcast %mul3A_359 : f32 to vector<32x32xf32>
    %mul3A_361 = arith.mulf %mul3A_360, %add3A_49 : vector<32x32xf32>
    %add3A_362 = arith.addf %add3A_358, %mul3A_361 : vector<32x32xf32>
    %mul3A_363 = arith.constant 2.500000e-01 : f32
    %mul3A_364 = vector.broadcast %mul3A_363 : f32 to vector<32x32xf32>
    %mul3A_365 = arith.mulf %mul3A_364, %add3A_362 : vector<32x32xf32>
    %broadcast_in_dim3A_366 = vector.shape_cast %div3A_350 : vector<32xf32> to vector<32x1xf32>
    %mul3A_367 = vector.broadcast %reduce_sum3A_342 : f32 to vector<32x1xf32>
    %mul3A_368 = arith.mulf %mul3A_367, %broadcast_in_dim3A_366 : vector<32x1xf32>
    %broadcast_in_dim3A_369 = vector.shape_cast %div3A_350 : vector<32xf32> to vector<1x32xf32>
    %mul3A_370 = vector.broadcast %mul3A_368 : vector<32x1xf32> to vector<32x32xf32>
    %mul3A_371 = vector.broadcast %broadcast_in_dim3A_369 : vector<1x32xf32> to vector<32x32xf32>
    %mul3A_372 = arith.mulf %mul3A_370, %mul3A_371 : vector<32x32xf32>
    %sub3A_373 = arith.subf %mul3A_365, %mul3A_372 : vector<32x32xf32>
    %add3A_374 = arith.constant 9.99999997E-7 : f32
    %add3A_375 = arith.addf %reduce_sum3A_342, %add3A_374 : f32
    %div3A_376 = vector.broadcast %add3A_375 : f32 to vector<32x32xf32>
    %div3A_377 = arith.divf %sub3A_373, %div3A_376 : vector<32x32xf32>
    %sub3A_378 = arith.subf %div3A_350, %mul3A_153 : vector<32xf32>
    %integer_pow3A_379 = arith.mulf %sub3A_378, %sub3A_378 : vector<32xf32>
    %reduce_sum3A_380 = vector.shape_cast %integer_pow3A_379 : vector<32xf32> to vector<1x32xf32>
    %reduce_sum3A_381 = arith.constant dense<0.000000e+00> : vector<1xf32>
    %reduce_sum3A_382 = vector.multi_reduction <add>, %reduce_sum3A_380, %reduce_sum3A_381 [1] : vector<1x32xf32> to vector<1xf32>
    %reduce_sum3A_383 = vector.shape_cast %reduce_sum3A_382 : vector<1xf32> to vector<1x1xf32>
    %reduce_sum3A_384 = vector.extract %reduce_sum3A_383[0, 0] : f32 from vector<1x1xf32>
    %div3A_385 = arith.constant 3.200000e+01 : f32
    %div3A_386 = arith.divf %reduce_sum3A_384, %div3A_385 : f32
    %sub3A_387 = arith.subf %div3A_377, %add3A_162 : vector<32x32xf32>
    %integer_pow3A_388 = arith.mulf %sub3A_387, %sub3A_387 : vector<32x32xf32>
    %reduce_sum3A_389 = vector.shape_cast %integer_pow3A_388 : vector<32x32xf32> to vector<1x32x32xf32>
    %reduce_sum3A_390 = arith.constant dense<0.000000e+00> : vector<1xf32>
    %reduce_sum3A_391 = vector.multi_reduction <add>, %reduce_sum3A_389, %reduce_sum3A_390 [1, 2] : vector<1x32x32xf32> to vector<1xf32>
    %reduce_sum3A_392 = vector.shape_cast %reduce_sum3A_391 : vector<1xf32> to vector<1x1x1xf32>
    %reduce_sum3A_393 = vector.extract %reduce_sum3A_392[0, 0, 0] : f32 from vector<1x1x1xf32>
    %div3A_394 = arith.constant 1.024000e+03 : f32
    %div3A_395 = arith.divf %reduce_sum3A_393, %div3A_394 : f32
    %add3A_396 = arith.addf %div3A_386, %div3A_395 : f32
    %gt3A_397 = arith.constant 0.000000e+00 : f32
    %gt3A_398 = arith.cmpf ogt, %reduce_sum3A_342, %gt3A_397 : f32
    %convert_element_type3A_399 = arith.extui %gt3A_398 : i1 to i32
    %convert_element_type3A_400 = arith.sitofp %convert_element_type3A_399 : i32 to f32
    %mul3A_401 = arith.mulf %convert_element_type3A_400, %add3A_396 : f32
    %add3A_402 = arith.addf %add3A_334, %mul3A_401 : f32
    %add3A_403 = arith.addf %add3A_335, %convert_element_type3A_400 : f32
    %slice3A_404 = vector.extract_strided_slice %reshape3A_7 {offsets = [3, 0], sizes = [1, 256], strides = [1, 1]} : vector<4x256xf32> to vector<1x256xf32>
    %squeeze3A_405 = vector.shape_cast %slice3A_404 : vector<1x256xf32> to vector<256xf32>
    %reduce_sum3A_406 = vector.shape_cast %squeeze3A_405 : vector<256xf32> to vector<1x256xf32>
    %reduce_sum3A_407 = arith.constant dense<0.000000e+00> : vector<1xf32>
    %reduce_sum3A_408 = vector.multi_reduction <add>, %reduce_sum3A_406, %reduce_sum3A_407 [1] : vector<1x256xf32> to vector<1xf32>
    %reduce_sum3A_409 = vector.shape_cast %reduce_sum3A_408 : vector<1xf32> to vector<1x1xf32>
    %reduce_sum3A_410 = vector.extract %reduce_sum3A_409[0, 0] : f32 from vector<1x1xf32>
    %slice3A_411 = vector.extract_strided_slice %reshape3A {offsets = [3, 0, 0], sizes = [1, 256, 32], strides = [1, 1, 1]} : vector<4x256x32xf32> to vector<1x256x32xf32>
    %squeeze3A_412 = vector.shape_cast %slice3A_411 : vector<1x256x32xf32> to vector<256x32xf32>
    %reduce_sum3A_413 = arith.constant dense<0.000000e+00> : vector<32xf32>
    %reduce_sum3A_414 = vector.multi_reduction <add>, %squeeze3A_412, %reduce_sum3A_413 [0] : vector<256x32xf32> to vector<32xf32>
    %max3A_415 = arith.constant 1.000000e+00 : f32
    %max3A_416 = arith.maximumf %reduce_sum3A_410, %max3A_415 : f32
    %div3A_417 = vector.broadcast %max3A_416 : f32 to vector<32xf32>
    %div3A_418 = arith.divf %reduce_sum3A_414, %div3A_417 : vector<32xf32>
    %mul3A_419 = arith.constant -1.000000e+00 : f32
    %mul3A_420 = vector.broadcast %mul3A_419 : f32 to vector<32x32xf32>
    %mul3A_421 = arith.mulf %mul3A_420, %add3A_29 : vector<32x32xf32>
    %add3A_422 = arith.addf %add3A_19, %mul3A_421 : vector<32x32xf32>
    %mul3A_423 = arith.constant -1.000000e+00 : f32
    %mul3A_424 = vector.broadcast %mul3A_423 : f32 to vector<32x32xf32>
    %mul3A_425 = arith.mulf %mul3A_424, %add3A_39 : vector<32x32xf32>
    %add3A_426 = arith.addf %add3A_422, %mul3A_425 : vector<32x32xf32>
    %mul3A_427 = arith.constant 1.000000e+00 : f32
    %mul3A_428 = vector.broadcast %mul3A_427 : f32 to vector<32x32xf32>
    %mul3A_429 = arith.mulf %mul3A_428, %add3A_49 : vector<32x32xf32>
    %add3A_430 = arith.addf %add3A_426, %mul3A_429 : vector<32x32xf32>
    %mul3A_431 = arith.constant 2.500000e-01 : f32
    %mul3A_432 = vector.broadcast %mul3A_431 : f32 to vector<32x32xf32>
    %mul3A_433 = arith.mulf %mul3A_432, %add3A_430 : vector<32x32xf32>
    %broadcast_in_dim3A_434 = vector.shape_cast %div3A_418 : vector<32xf32> to vector<32x1xf32>
    %mul3A_435 = vector.broadcast %reduce_sum3A_410 : f32 to vector<32x1xf32>
    %mul3A_436 = arith.mulf %mul3A_435, %broadcast_in_dim3A_434 : vector<32x1xf32>
    %broadcast_in_dim3A_437 = vector.shape_cast %div3A_418 : vector<32xf32> to vector<1x32xf32>
    %mul3A_438 = vector.broadcast %mul3A_436 : vector<32x1xf32> to vector<32x32xf32>
    %mul3A_439 = vector.broadcast %broadcast_in_dim3A_437 : vector<1x32xf32> to vector<32x32xf32>
    %mul3A_440 = arith.mulf %mul3A_438, %mul3A_439 : vector<32x32xf32>
    %sub3A_441 = arith.subf %mul3A_433, %mul3A_440 : vector<32x32xf32>
    %add3A_442 = arith.constant 9.99999997E-7 : f32
    %add3A_443 = arith.addf %reduce_sum3A_410, %add3A_442 : f32
    %div3A_444 = vector.broadcast %add3A_443 : f32 to vector<32x32xf32>
    %div3A_445 = arith.divf %sub3A_441, %div3A_444 : vector<32x32xf32>
    %sub3A_446 = arith.subf %div3A_418, %mul3A_153 : vector<32xf32>
    %integer_pow3A_447 = arith.mulf %sub3A_446, %sub3A_446 : vector<32xf32>
    %reduce_sum3A_448 = vector.shape_cast %integer_pow3A_447 : vector<32xf32> to vector<1x32xf32>
    %reduce_sum3A_449 = arith.constant dense<0.000000e+00> : vector<1xf32>
    %reduce_sum3A_450 = vector.multi_reduction <add>, %reduce_sum3A_448, %reduce_sum3A_449 [1] : vector<1x32xf32> to vector<1xf32>
    %reduce_sum3A_451 = vector.shape_cast %reduce_sum3A_450 : vector<1xf32> to vector<1x1xf32>
    %reduce_sum3A_452 = vector.extract %reduce_sum3A_451[0, 0] : f32 from vector<1x1xf32>
    %div3A_453 = arith.constant 3.200000e+01 : f32
    %div3A_454 = arith.divf %reduce_sum3A_452, %div3A_453 : f32
    %sub3A_455 = arith.subf %div3A_445, %add3A_162 : vector<32x32xf32>
    %integer_pow3A_456 = arith.mulf %sub3A_455, %sub3A_455 : vector<32x32xf32>
    %reduce_sum3A_457 = vector.shape_cast %integer_pow3A_456 : vector<32x32xf32> to vector<1x32x32xf32>
    %reduce_sum3A_458 = arith.constant dense<0.000000e+00> : vector<1xf32>
    %reduce_sum3A_459 = vector.multi_reduction <add>, %reduce_sum3A_457, %reduce_sum3A_458 [1, 2] : vector<1x32x32xf32> to vector<1xf32>
    %reduce_sum3A_460 = vector.shape_cast %reduce_sum3A_459 : vector<1xf32> to vector<1x1x1xf32>
    %reduce_sum3A_461 = vector.extract %reduce_sum3A_460[0, 0, 0] : f32 from vector<1x1x1xf32>
    %div3A_462 = arith.constant 1.024000e+03 : f32
    %div3A_463 = arith.divf %reduce_sum3A_461, %div3A_462 : f32
    %add3A_464 = arith.addf %div3A_454, %div3A_463 : f32
    %gt3A_465 = arith.constant 0.000000e+00 : f32
    %gt3A_466 = arith.cmpf ogt, %reduce_sum3A_410, %gt3A_465 : f32
    %convert_element_type3A_467 = arith.extui %gt3A_466 : i1 to i32
    %convert_element_type3A_468 = arith.sitofp %convert_element_type3A_467 : i32 to f32
    %mul3A_469 = arith.mulf %convert_element_type3A_468, %add3A_464 : f32
    %add3A_470 = arith.addf %add3A_402, %mul3A_469 : f32
    %add3A_471 = arith.addf %add3A_403, %convert_element_type3A_468 : f32
    %gt3A_472 = arith.constant 0.000000e+00 : f32
    %gt3A_473 = arith.cmpf ogt, %add3A_471, %gt3A_472 : f32
    %max3A_474 = arith.constant 1.000000e+00 : f32
    %max3A_475 = arith.maximumf %add3A_471, %max3A_474 : f32
    %div3A_476 = arith.divf %add3A_470, %max3A_475 : f32
    %jit3A_477 = arith.constant 0.000000e+00 : f32
    %select_n3A_478 = arith.select %gt3A_473, %div3A_476, %jit3A_477 : f32
    %add3A_479 = arith.addf %select_n3A_197, %select_n3A_478 : f32
    %broadcast_in_dim3A_480 = vector.broadcast %add3A_479 : f32 to vector<1x1xf32>
    %swap3A = arith.constant 0 : index
    %swap3A_481 = arith.constant 0 : index
    %swap3A_482 = vector.load %arg3[%swap3A, %swap3A_481] : memref<1x1xf32, #tpu.memory_space<vmem>>, vector<1x1xf32>
    tpu.vector_store %arg3[%swap3A, %swap3A_481], %broadcast_in_dim3A_480 {strides = array<i32>} : memref<1x1xf32, #tpu.memory_space<vmem>>, vector<1x1xf32>,
    return
  }
}

</mosaic_0001>

<sc_bundles>
// kernel: kernel.5.cloned.1.call-start
scs
__scs_entry_jumppad:
0x0: {  	(pc) =	sbr.rel $0x88, $3  }
0x1: {  	(tag) =	ssettag $0x0;
	lr =	simm.s32 $0x1  }
0x2: {  	[smem:$0x3F9E] =	sst lr;
	_ =	strace $0xD0000000  }
0x3: {  	_ = 	snop  }
0x4: {  	_ = 	snop  }
0x5: {  	_ = 	snop  }
0x6: {  	_ = 	snop  }
0x7: {  	_ = 	snop  }
__scs_overlays_trampoline_lowered:
0x8: {  	[smem:$0x3FAD] =	sst s0  }
0x9: {  	[smem:$0x3FAE] =	sst s1  }
0xa: {  	[smem:$0x3FAF] =	sst s2  }
0xb: {  	[smem:$0x3FB0] =	sst s3  }
0xc: {  	[smem:$0x3FB1] =	sst s4  }
0xd: {  	[smem:$0x3FB2] =	sst s5  }
0xe: {  	[smem:$0x3FB3] =	sst s6  }
0xf: {  	[smem:$0x3FB4] =	sst s7  }
0x10: {  	[smem:$0x3FB5] =	sst s8  }
0x11: {  	[smem:$0x3FB6] =	sst s9;
	s0 =	simm.s32 @!p0 $0x0  }
0x12: {  	s1 =	sld [smem:$0x3F9C];
	s0 =	simm.s32 @p0 $0x1  }
0x13: {  	[smem:$0x3FB7] =	sst s0;
	s0 =	simm.s32 @!p1 $0x0  }
0x14: {  	s2 =	sld [smem:$0x3F9B];
	s0 =	simm.s32 @p1 $0x1  }
0x15: {  	[smem:$0x3FB8] =	sst s0;
	s0 =	simm.s32 @!p2 $0x0  }
0x16: {  	s3 =	sld [smem:$0x3FDB];
	s0 =	simm.s32 @p2 $0x1  }
0x17: {  	s4 =	simm.s32 $0x1BF5;
	[smem:$0x3FBA] =	sst s0  }
0x18: {  	s0 =	sld [smem:$0x3F9D];
	_ =	swait.ge [sflag:s4], $0x0  }
0x19: {  	s7 =	sld [smem:$0x3F9E]  }
0x1a: {  	s8 =	sadd.s32 $0xFFFFE003, lr  }
0x1b: {  	s9 =	sadd.s32 $0xFFFFFEF7, lr;
	s5 =	simm.s32 $0xFFFFFFFF;
	p2 =	slt.u32 s8, $0xFFFFF086  }
0x1c: {  	p1 =	slt.u32 s9, $0xF7A;
	s5 =	simm.s32 @!p2 $0x0  }
0x1d: {  	s5 =	simm.s32 @p1 $0x1;
	p0 =	seq.s32 s7, s2  }
0x1e: {  	s7 =	smul.u32 @!p0 $0xF7A, s2;
	p2 =	seq.s32 @!p0 s5, $0x0  }
0x1f: {  	s9 =	smul.u32 $0xF7A, s1;
	s8 =	simm.s32 @!p0 $0x1BF5;
	p2 =	por !p2, p0  }
0x20: {  	[sflag:s8] =	ssyncset.s32 @!p0 $0xFFFFF086;
	s6 =	sadd.s32 @!p0 s3, s7;
	s7 =	simm.s32 @!p0 $0x108  }
0x21: {  	s3 =	sadd.s32 s3, s9;
	s6 =	sadd.s32 @!p0 $0x88, s6;
	s7 =	simm.s32 @p2 $0x1082  }
0x22: {  	[simem:s7], [sflag:s8] =	dma.local @!p0 [hbm:s6], $0xF7A  }
0x23: {  	s9 =	sor.u32 $0xD0000000, s2;
	s6 =	simm.s32 $0x108;
	_ =	swait.ge @!p0 [sflag:s8], $0x0  }
0x24: {  	s3 =	sadd.s32 $0x88, s3;
	s6 =	simm.s32 @!p1 $0x1082;
	[sflag:s4] =	ssyncset.s32 $0xFFFFF086  }
0x25: {  	[simem:s6], [sflag:s4] =	dma.local [hbm:s3], $0xF7A  }
0x26: {  	[smem:$0x3F9E] =	sst s1;
	(tag) =	ssettag s2;
	_ =	strace s9  }
0x27: {  	s1 =	sld [smem:$0x3FAE]  }
0x28: {  	s2 =	sld [smem:$0x3FAF]  }
0x29: {  	s4 =	sld [smem:$0x3FB1]  }
0x2a: {  	p0 =	seq.s32 s5, $0x0;
	s5 =	sld [smem:$0x3FB2]  }
0x2b: {  	s6 =	sld [smem:$0x3FB3]  }
0x2c: {  	s7 =	sld [smem:$0x3FB4]  }
0x2d: {  	s3 =	simm.s32 $0x108;
	s8 =	sld [smem:$0x3FB5]  }
0x2e: {  	s3 =	simm.s32 @!p0 $0x1082;
	s9 =	sld [smem:$0x3FB6]  }
0x2f: {  	lr =	sadd.s32 s0, s3;
	s0 =	sld [smem:$0x3FAD]  }
0x30: {  	s3 =	sld [smem:$0x3FB0]  }
0x31: {  	[smem:$0x3FB9] =	sst s10  }
0x32: {  	s10 =	sld [smem:$0x3FB7];
	_ =	sdelay $0x3  }
0x33: {  	p0 =	seq.s32 s10, $0x1;
	s10 =	sld [smem:$0x3FB9];
	_ =	sdelay $0x3  }
0x34: {  	[smem:$0x3FB9] =	sst s10  }
0x35: {  	s10 =	sld [smem:$0x3FB8];
	_ =	sdelay $0x3  }
0x36: {  	p1 =	seq.s32 s10, $0x1;
	s10 =	sld [smem:$0x3FB9];
	_ =	sdelay $0x3  }
0x37: {  	[smem:$0x3FB9] =	sst s10  }
0x38: {  	s10 =	sld [smem:$0x3FBA]  }
0x39: {  	_ = 	snop;
	(pc) =	sbr.ind lr, $3  }
0x3a: {  	_ = 	snop  }
0x3b: {  	_ = 	snop  }
0x3c: {  	p2 =	seq.s32 s10, $0x1;
	s10 =	sld [smem:$0x3FB9]  }
0x3d: {  	_ =	shalt  }
0x3e: {  	_ =	shalt  }
0x3f: {  	_ =	shalt  }
0x40: {  	_ =	shalt  }
0x41: {  	_ =	shalt  }
0x42: {  	_ =	shalt  }
0x43: {  	_ =	shalt  }
0x44: {  	_ =	shalt  }
0x45: {  	_ =	shalt  }
0x46: {  	_ =	shalt  }
0x47: {  	_ =	shalt  }
0x48: {  	_ =	shalt  }
0x49: {  	_ =	shalt  }
0x4a: {  	_ =	shalt  }
0x4b: {  	_ =	shalt  }
0x4c: {  	_ =	shalt  }
0x4d: {  	_ =	shalt  }
0x4e: {  	_ =	shalt  }
0x4f: {  	_ =	shalt  }
0x50: {  	_ =	shalt  }
0x51: {  	_ =	shalt  }
0x52: {  	_ =	shalt  }
0x53: {  	_ =	shalt  }
0x54: {  	_ =	shalt  }
0x55: {  	_ =	shalt  }
0x56: {  	_ =	shalt  }
0x57: {  	_ =	shalt  }
0x58: {  	_ =	shalt  }
0x59: {  	_ =	shalt  }
0x5a: {  	_ =	shalt  }
0x5b: {  	_ =	shalt  }
0x5c: {  	_ =	shalt  }
0x5d: {  	_ =	shalt  }
0x5e: {  	_ =	shalt  }
0x5f: {  	_ =	shalt  }
0x60: {  	_ =	shalt  }
0x61: {  	_ =	shalt  }
0x62: {  	_ =	shalt  }
0x63: {  	_ =	shalt  }
0x64: {  	_ =	shalt  }
0x65: {  	_ =	shalt  }
0x66: {  	_ =	shalt  }
0x67: {  	_ =	shalt  }
0x68: {  	_ =	shalt  }
0x69: {  	_ =	shalt  }
0x6a: {  	_ =	shalt  }
0x6b: {  	_ =	shalt  }
0x6c: {  	_ =	shalt  }
0x6d: {  	_ =	shalt  }
0x6e: {  	_ =	shalt  }
0x6f: {  	_ =	shalt  }
0x70: {  	_ =	shalt  }
0x71: {  	_ =	shalt  }
0x72: {  	_ =	shalt  }
0x73: {  	_ =	shalt  }
0x74: {  	_ =	shalt  }
0x75: {  	_ =	shalt  }
0x76: {  	_ =	shalt  }
0x77: {  	_ =	shalt  }
0x78: {  	_ =	shalt  }
0x79: {  	_ =	shalt  }
0x7a: {  	_ =	shalt  }
0x7b: {  	_ =	shalt  }
0x7c: {  	_ =	shalt  }
0x7d: {  	_ =	shalt  }
0x7e: {  	_ =	shalt  }
0x7f: {  	_ =	shalt  }
0x80: {  	_ =	shalt  }
0x81: {  	_ =	shalt  }
0x82: {  	_ =	shalt  }
0x83: {  	_ =	shalt  }
0x84: {  	_ =	shalt  }
0x85: {  	_ =	shalt  }
0x86: {  	_ =	shalt  }
0x87: {  	_ =	shalt  }
.Lfunc_end0:
.L_simem_size_0:
called_computation_lowered:
.L_overlay_start_0:
0x88: {  	s2 =	sld [smem:$0x3FD9]  }
0x89: {  	s3 =	sld [smem:$0x3FFE];
	_ =	sdelay $0x1  }
0x8a: {  	s1 =	srdreg.scid  }
0x8b: {  	s0 =	sand.u32 $0x1, s1  }
0x8c: {  	s17 =	sshll.u32 s0, $0xA;
	s2 =	sadd.s32 s3, s2  }
0x8d: {  	s2 =	sadd.s32 s2, s17  }
0x8e: {  	[smem:$0x3FC5] =	sst s2  }
0x8f: {  	_ = 	snop  }
0x90: {  	s2 =	sld [smem:$0x3FC8]  }
0x91: {  	s18 =	sld [smem:$0x3FC7];
	(tm) =	ssettm $0x1  }
0x92: {  	s4 =	sld [smem:$0x3FFB];
	_ =	sdelay $0x3  }
0x93: {  	_ =	strace s4  }
0x94: {  	s4 =	sld [smem:$0x3FFC];
	_ =	sdelay $0x3  }
0x95: {  	_ =	strace s4  }
0x96: {  	s4 =	sld [smem:$0x3FFD];
	_ =	sdelay $0x3  }
0x97: {  	_ =	strace s4  }
0x98: {  	_ =	strace $0x8FFFFFFF  }
0x99: {  	s19 =	sld [smem:$0x3FDB];
	_ =	sdelay $0x1  }
0x9a: {  	s5 =	simm.s32 $_scs_section_size  }
0x9b: {  	s6 =	simm.s32 $_size__tile_overlayer_lowered;
	s7 =	simm.s32 $_tile_overlayer_lowered  }
0x9c: {  	s22 =	simm.s32 $0x1BFF;
	s21 =	sshll.u32 s7, $0x1;
	s4 =	sadd.s32 s5, s19  }
0x9d: {  	s8 =	simm.s32 $0x0;
	s20 =	sshll.u32 s6, $0x1;
	s6 =	sadd.s32 s21, s4  }
0x9e: {  	[timem:s8], [sflag:s22] =	dma.local [hbm:s6], s20  }
0x9f: {  	_ =	swait.ge [sflag:s22], s20  }
0xa0: {  	s5 =	ssub.s32 $0x0, s20;
	[sflag:s22] =	ssyncset.done $0x0  }
0xa1: {  	[sflag:s22] =	ssyncadd.s32 s5;
	_ =	sdelay $0x1  }
0xa2: {  	s23 =	simm.s32 $0x1B8B  }
0xa3: {  	_ =	swait.ge [sflag:s23], $0x1  }
0xa4: {  	[sflag:s23] =	ssyncset.done $0x0  }
0xa5: {  	s25 =	simm.s32 $0x1B8E;
	s24 =	sld [smem:$0x3FFE];
	[sflag:s23] =	ssyncadd.s32 $0xFFFFFFFF  }
0xa6: {  	s26 =	simm.s32 $execute0_lowered;
	[smem:$0x3FD2] =	sst s25  }
0xa7: {  	s6 =	sshll.u32 s26, $0x1;
	_ =	strace $0x80000046;
	[dreg:$0x1] =	wrdreg $0xFFFFFFFF  }
0xa8: {  	s28 =	simm.s32 $_size_execute0_lowered;
	s4 =	sadd.s32 s4, s6;
	[dreg:$0x0] =	wrdreg $0x0  }
0xa9: {  	s6 =	sshll.u32 s28, $0x1;
	[dreg:$0x2] =	wrdreg s4  }
0xaa: {  	[dreg:$0x3] =	wrdreg s6  }
0xab: {  	[dreg:$0x4] =	wrdreg $0xC0  }
0xac: {  	_ =	task [dreg:s8], $0x5FFFF  }
0xad: {  	[dreg:$0x1] =	wrdreg $0xFFFFFFFF  }
0xae: {  	[dreg:$0x0] =	wrdreg $0x60  }
0xaf: {  	[dreg:$0x2] =	wrdreg s24  }
0xb0: {  	[dreg:$0x3] =	wrdreg s2  }
0xb1: {  	[dreg:$0x4] =	wrdreg s18  }
0xb2: {  	[dreg:$0x5] =	wrdreg $0x125700  }
0xb3: {  	[dreg:$0x6] =	wrdreg $0x9  }
0xb4: {  	_ =	task.clear_ibuf [dreg:s8], $0x7FFFF;
	_ =	strace $0x90000046  }
0xb5: {  	s29 =	simm.s32 $0x9;
	_ =	strace $0x80000048  }
0xb6: {  	_ =	swait.ge [sflag:s29], $0x1  }
0xb7: {  	[sflag:s29] =	ssyncadd.s32 $0xFFFFFFFF  }
0xb8: {  	_ =	strace $0x90000048  }
0xb9: {  	_ =	sfence  }
0xba: {  	s30 =	sld [smem:$0x0];
	_ =	sdelay $0x2  }
0xbb: {  	s31 =	sshll.u32 s1, $0xD;
	s1 =	sshrl.u32 s1, $0x2  }
0xbc: {  	s3 =	sand.u32 $0x4000, s31;
	s1 =	sadd.s32 s1, s30  }
0xbd: {  	s0 =	sor.u32 s3, s0;
	s1 =	sshll.u32 s1, $0x11  }
0xbe: {  	s0 =	sor.u32 s1, s0  }
0xbf: {  	s0 =	sadd.s32 $0x8F2B, s0  }
0xc0: {  	[sflag:s0] =	ssyncadd.remote.s32 $0x1  }
0xc1: {  	_ =	sfence.sel $0xFFFF  }
0xc2: {  	[dreg:$0x0] =	wrdreg $0xFFFFFFFF;
	(pc) =	sbr.abs _section_cstart, $3  }
0xc3: {  	[dreg:$0x1] =	wrdreg $0xFFFFFFFF  }
0xc4: {  	_ =	task.clear_ibuf [dreg:s8], $0x2FFFF;
	_ =	strace $0x9FFFFFFF  }
0xc5: {  	(tm) =	ssettm $0x7FFFFFFF  }
tec
execute0_lowered:
.L_overlay_start_1:
0x0: {  	(tag) =	ssettag $0x1  }
0x1: {  	s7 =	rddreg [dreg:$0x0]  }
0x2: {  	s1 =	rddreg [dreg:$0x1]  }
0x3: {  	s2 =	rddreg [dreg:$0x2]  }
0x4: {  	s3 =	rddreg [dreg:$0x3];
	s4 =	simm.s32 $0x0  }
0x5: {  	s5 =	srdreg.scid;
	s25 =	stileid.u32;
	s17 =	simm.s32 $0x11570  }
0x6: {  	s18 =	simm.s32 $0x2;
	s19 =	simm.s32 $0x1;
	s20 =	simm.s32 $0xFA00  }
0x7: {  	s21 =	simm.s32 $0x3;
	s22 =	simm.s32 $0x101D0;
	s23 =	simm.s32 $0x11170  }
0x8: {  	s24 =	simm.s32 $0x7D0;
	s28 =	simm.s32 $0x0;
	[smem:$0x7FF] =	sst s4  }
0x9: {  	s8 =	sand.u32 $0x1, s5;
	s6 =	sshll.u32 s25, $0x1;
	s5 =	sadd.s32 $0xF42E00, s7  }
0xa: {  	s12 =	sadd.s32 $0x3000, s3;
	s13 =	sadd.s32 $0x4000, s3;
	s14 =	sadd.s32 $0x5000, s3  }
0xb: {  	s15 =	sadd.s32 $0x6000, s3;
	s16 =	sadd.s32 $0x7000, s3;
	p0 =	seq.s32 s25, $0x0  }
0xc: {  	p1 =	sne.s32 s25, $0x0;
	s25 =	simm.s32 $0x109A0;
	_ =	strace $0x80000047  }
.Ltmp0:
0xd: {  	s6 =	sor.u32 s8, s6;
	s9 =	sshll.u32 s8, $0xC;
	(pc) =	sbr.rel .LBB2_1-.Ltmp0, $4  }
0xe: {  	s8 =	ssub.s32 $0x2, s8;
	s26 =	sshrl.u32 @!p1 s3, $0x3;
	s10 =	sshll.u32 s6, $0x7  }
0xf: {  	s9 =	sadd.s32 s9, s7;
	s31 =	sshrl.u32 s8, $0x1;
	s10 =	sadd.s32 s10, s7  }
0x10: {  	s11 =	ssub.s32 s8, s31;
	s7 =	sadd.s32 $0x1313800, s9;
	s8 =	sadd.s32 $0x1315800, s10  }
0x11: {  	v0 =	vimm.f32 $0.0e+00;
	v1 =	vimm.f32 $1.000000000e+00;
	s9 =	smax.u32 s11, $0x1;
	s10 =	sadd.s32 $0x1000, s3;
	s11 =	sadd.s32 $0x2000, s3  }
.LBB2_11:
0x12: {  	[bflag:$0x0] =	sbarrier.arrive $0xFFFF;
	s0 =	simm.s32 @!p1 $0x1C02  }
0x13: {  	[hbm:s7], [sflag:s0] =	dma.local @!p1 [spmem:s26], $0x1000  }
0x14: {  	s0 =	simm.s32 @!p1 $0x2  }
0x15: {  	s28 =	sadd.s32 $0x1, s28;
	_ =	swait.ge @!p1 [sflag:s0], $0x1000  }
0x16: {  	p2 =	sne.s32 s28, s9;
	[sflag:s0] =	ssyncset.done @!p1 $0x0  }
.Ltmp1:
0x17: {  	[sflag:s0] =	ssyncadd.s32 @!p1 $0xFFFFF000;
	(pc) =	sbr.rel @!p2 .LBB2_12-.Ltmp1, $4  }
0x18: {  	[hbm4b:s8+s4] =	stream.linear.scatter [tilespmem:s23], [sflag:$0x2], $0x400, $0x38;
	[tilespmem:$0x12D70] =	vst v63  }
0x19: {  	_ =	swait.ge [sflag:s18], $0x400  }
0x1a: {  	[sflag:s18] =	ssyncset.done $0x0  }
0x1b: {  	[sflag:s18] =	ssyncadd.s32 $0xFFFFFC00  }
.LBB2_1:
0x1c: {  	[tilespmem:$0x11170] =	vst v0  }
0x1d: {  	[tilespmem:$0x11180] =	vst v0  }
0x1e: {  	[tilespmem:$0x11190] =	vst v0  }
0x1f: {  	[tilespmem:$0x111A0] =	vst v0  }
0x20: {  	[tilespmem:$0x111B0] =	vst v0  }
0x21: {  	[tilespmem:$0x111C0] =	vst v0  }
0x22: {  	[tilespmem:$0x111D0] =	vst v0  }
0x23: {  	[tilespmem:$0x111E0] =	vst v0  }
0x24: {  	[tilespmem:$0x111F0] =	vst v0  }
0x25: {  	[tilespmem:$0x11200] =	vst v0  }
0x26: {  	[tilespmem:$0x11210] =	vst v0  }
0x27: {  	[tilespmem:$0x11220] =	vst v0  }
0x28: {  	[tilespmem:$0x11230] =	vst v0  }
0x29: {  	[tilespmem:$0x11240] =	vst v0  }
0x2a: {  	[tilespmem:$0x11250] =	vst v0  }
0x2b: {  	[tilespmem:$0x11260] =	vst v0  }
0x2c: {  	[tilespmem:$0x11270] =	vst v0  }
0x2d: {  	[tilespmem:$0x11280] =	vst v0  }
0x2e: {  	[tilespmem:$0x11290] =	vst v0  }
0x2f: {  	[tilespmem:$0x112A0] =	vst v0  }
0x30: {  	[tilespmem:$0x112B0] =	vst v0  }
0x31: {  	[tilespmem:$0x112C0] =	vst v0  }
0x32: {  	[tilespmem:$0x112D0] =	vst v0  }
0x33: {  	[tilespmem:$0x112E0] =	vst v0  }
0x34: {  	[tilespmem:$0x112F0] =	vst v0  }
0x35: {  	[tilespmem:$0x11300] =	vst v0  }
0x36: {  	[tilespmem:$0x11310] =	vst v0  }
0x37: {  	[tilespmem:$0x11320] =	vst v0  }
0x38: {  	[tilespmem:$0x11330] =	vst v0  }
0x39: {  	[tilespmem:$0x11340] =	vst v0  }
0x3a: {  	[tilespmem:$0x11350] =	vst v0  }
0x3b: {  	[tilespmem:$0x11360] =	vst v0  }
0x3c: {  	[tilespmem:$0x11370] =	vst v0  }
0x3d: {  	[tilespmem:$0x11380] =	vst v0  }
0x3e: {  	[tilespmem:$0x11390] =	vst v0  }
0x3f: {  	[tilespmem:$0x113A0] =	vst v0  }
0x40: {  	[tilespmem:$0x113B0] =	vst v0  }
0x41: {  	[tilespmem:$0x113C0] =	vst v0  }
0x42: {  	[tilespmem:$0x113D0] =	vst v0  }
0x43: {  	[tilespmem:$0x113E0] =	vst v0  }
0x44: {  	[tilespmem:$0x113F0] =	vst v0  }
0x45: {  	[tilespmem:$0x11400] =	vst v0  }
0x46: {  	[tilespmem:$0x11410] =	vst v0  }
0x47: {  	[tilespmem:$0x11420] =	vst v0  }
0x48: {  	[tilespmem:$0x11430] =	vst v0  }
0x49: {  	[tilespmem:$0x11440] =	vst v0  }
0x4a: {  	[tilespmem:$0x11450] =	vst v0  }
0x4b: {  	[tilespmem:$0x11460] =	vst v0  }
0x4c: {  	[tilespmem:$0x11470] =	vst v0  }
0x4d: {  	[tilespmem:$0x11480] =	vst v0  }
0x4e: {  	[tilespmem:$0x11490] =	vst v0  }
0x4f: {  	[tilespmem:$0x114A0] =	vst v0  }
0x50: {  	[tilespmem:$0x114B0] =	vst v0  }
0x51: {  	[tilespmem:$0x114C0] =	vst v0  }
0x52: {  	[tilespmem:$0x114D0] =	vst v0  }
0x53: {  	[tilespmem:$0x114E0] =	vst v0  }
0x54: {  	[tilespmem:$0x114F0] =	vst v0  }
0x55: {  	[tilespmem:$0x11500] =	vst v0  }
0x56: {  	[tilespmem:$0x11510] =	vst v0  }
.Ltmp2:
0x57: {  	[tilespmem:$0x11520] =	vst v0;
	(pc) =	sbr.rel @!p0 .LBB2_5-.Ltmp2, $4  }
0x58: {  	[tilespmem:$0x11530] =	vst v0  }
0x59: {  	[tilespmem:$0x11540] =	vst v0  }
0x5a: {  	[tilespmem:$0x11550] =	vst v0  }
0x5b: {  	[tilespmem:$0x11560] =	vst v0  }
0x5c: {  	s29 =	simm.s32 $0x115F0  }
0x5d: {  	[tilespmem:s29+$0xFFFFFF80] =	vst v0  }
0x5e: {  	[tilespmem:s29+$0x70] =	vst v0  }
0x5f: {  	[tilespmem:s29+$0x60] =	vst v0  }
0x60: {  	[tilespmem:s29+$0x50] =	vst v0  }
0x61: {  	[tilespmem:s29+$0x40] =	vst v0  }
0x62: {  	[tilespmem:s29+$0x30] =	vst v0  }
0x63: {  	[tilespmem:s29+$0x20] =	vst v0  }
0x64: {  	[tilespmem:s29+$0x10] =	vst v0  }
0x65: {  	[tilespmem:s29+$0x0] =	vst v0  }
0x66: {  	[tilespmem:s29+$0xFFFFFFF0] =	vst v0  }
0x67: {  	[tilespmem:s29+$0xFFFFFFE0] =	vst v0  }
0x68: {  	[tilespmem:s29+$0xFFFFFFD0] =	vst v0  }
0x69: {  	[tilespmem:s29+$0xFFFFFFC0] =	vst v0  }
0x6a: {  	[tilespmem:s29+$0xFFFFFFB0] =	vst v0  }
0x6b: {  	s30 =	simm.s32 $0x0;
	[tilespmem:s29+$0xFFFFFFA0] =	vst v0  }
.LBB2_3:
0x6c: {  	s30 =	sadd.s32 $0x8, s30;
	[tilespmem:s29+$0xFFFFFF90] =	vst v0;
	s29 =	sadd.s32 $0x100, s29  }
0x6d: {  	[tilespmem:s29+$0xFFFFFF80] =	vst v0;
	p2 =	slt.u32 s30, $0x78  }
0x6e: {  	[tilespmem:s29+$0x70] =	vst v0  }
0x6f: {  	[tilespmem:s29+$0x60] =	vst v0  }
0x70: {  	[tilespmem:s29+$0x50] =	vst v0  }
0x71: {  	[tilespmem:s29+$0x40] =	vst v0  }
0x72: {  	[tilespmem:s29+$0x30] =	vst v0  }
0x73: {  	[tilespmem:s29+$0x20] =	vst v0  }
0x74: {  	[tilespmem:s29+$0x10] =	vst v0  }
0x75: {  	[tilespmem:s29+$0x0] =	vst v0  }
0x76: {  	[tilespmem:s29+$0xFFFFFFF0] =	vst v0  }
.Ltmp3:
0x77: {  	[tilespmem:s29+$0xFFFFFFE0] =	vst v0;
	(pc) =	sbr.rel @p2 .LBB2_3-.Ltmp3, $4  }
0x78: {  	[tilespmem:s29+$0xFFFFFFD0] =	vst v0  }
0x79: {  	[tilespmem:s29+$0xFFFFFFC0] =	vst v0  }
0x7a: {  	[tilespmem:s29+$0xFFFFFFB0] =	vst v0  }
0x7b: {  	[tilespmem:s29+$0xFFFFFFA0] =	vst v0  }
0x7c: {  	[tilespmem:s29+$0xFFFFFF90] =	vst v0  }
0x7d: {  	[spmem:s3] =	stream.linear.scatter [tilespmem:s17], [sflag:$0x2], $0x1000, $0x38;
	[tilespmem:$0x12D70] =	vst v63  }
0x7e: {  	_ =	swait.ge [sflag:s18], $0x1000  }
0x7f: {  	[sflag:s18] =	ssyncset.done $0x0  }
0x80: {  	[sflag:s18] =	ssyncadd.s32 $0xFFFFF000  }
0x81: {  	[spmem:s10] =	stream.linear.scatter [tilespmem:s17], [sflag:$0x2], $0x1000, $0x38;
	[tilespmem:$0x12D70] =	vst v63  }
0x82: {  	_ =	swait.ge [sflag:s18], $0x1000  }
0x83: {  	[sflag:s18] =	ssyncset.done $0x0  }
0x84: {  	[sflag:s18] =	ssyncadd.s32 $0xFFFFF000  }
0x85: {  	[spmem:s11] =	stream.linear.scatter [tilespmem:s17], [sflag:$0x2], $0x1000, $0x38;
	[tilespmem:$0x12D70] =	vst v63  }
0x86: {  	_ =	swait.ge [sflag:s18], $0x1000  }
0x87: {  	[sflag:s18] =	ssyncset.done $0x0  }
0x88: {  	[sflag:s18] =	ssyncadd.s32 $0xFFFFF000  }
0x89: {  	[spmem:s12] =	stream.linear.scatter [tilespmem:s17], [sflag:$0x2], $0x1000, $0x38;
	[tilespmem:$0x12D70] =	vst v63  }
0x8a: {  	_ =	swait.ge [sflag:s18], $0x1000  }
0x8b: {  	[sflag:s18] =	ssyncset.done $0x0  }
0x8c: {  	[sflag:s18] =	ssyncadd.s32 $0xFFFFF000  }
0x8d: {  	[spmem:s13] =	stream.linear.scatter [tilespmem:s17], [sflag:$0x2], $0x1000, $0x38;
	[tilespmem:$0x12D70] =	vst v63  }
0x8e: {  	_ =	swait.ge [sflag:s18], $0x1000  }
0x8f: {  	[sflag:s18] =	ssyncset.done $0x0  }
0x90: {  	[sflag:s18] =	ssyncadd.s32 $0xFFFFF000  }
0x91: {  	[spmem:s14] =	stream.linear.scatter [tilespmem:s17], [sflag:$0x2], $0x1000, $0x38;
	[tilespmem:$0x12D70] =	vst v63  }
0x92: {  	_ =	swait.ge [sflag:s18], $0x1000  }
0x93: {  	[sflag:s18] =	ssyncset.done $0x0  }
0x94: {  	[sflag:s18] =	ssyncadd.s32 $0xFFFFF000  }
0x95: {  	[spmem:s15] =	stream.linear.scatter [tilespmem:s17], [sflag:$0x2], $0x1000, $0x38;
	[tilespmem:$0x12D70] =	vst v63  }
0x96: {  	_ =	swait.ge [sflag:s18], $0x1000  }
0x97: {  	[sflag:s18] =	ssyncset.done $0x0  }
0x98: {  	[sflag:s18] =	ssyncadd.s32 $0xFFFFF000  }
0x99: {  	[spmem:s16] =	stream.linear.scatter [tilespmem:s17], [sflag:$0x2], $0x1000, $0x38;
	[tilespmem:$0x12D70] =	vst v63  }
0x9a: {  	_ =	swait.ge [sflag:s18], $0x1000  }
0x9b: {  	[sflag:s18] =	ssyncset.done $0x0  }
0x9c: {  	[sflag:s18] =	ssyncadd.s32 $0xFFFFF000  }
.LBB2_5:
.Ltmp4:
0x9d: {  	(pc) =	sbr.rel .LBB2_6-.Ltmp4, $3  }
0x9e: {  	_ =	sdelay $0x1  }
0x9f: {  	[bflag:$0x0] =	sbarrier.arrive $0xFFFF  }
0xa0: {  	s29 =	simm.s32 $0x0  }
.LBB2_10:
0xa1: {  	s29 =	sadd.s32 $0x1, s29  }
0xa2: {  	p2 =	sne.s32 s29, $0x10  }
.Ltmp5:
0xa3: {  	_ = 	snop;
	(pc) =	sbr.rel @!p2 .LBB2_11-.Ltmp5, $1  }
0xa4: {  	_ =	sdelay $0x3  }
.LBB2_6:
0xa5: {  	s30 =	sshll.u32 s29, $0x5  }
0xa6: {  	s30 =	sor.u32 s6, s30  }
0xa7: {  	p2 =	sgt.u32 s30, $0x1F3  }
.Ltmp6:
0xa8: {  	_ = 	snop;
	(pc) =	sbr.rel @p2 .LBB2_10-.Ltmp6, $1  }
0xa9: {  	_ =	sdelay $0x3  }
0xaa: {  	s31 =	smul.u32 $0x1F40, s30;
	_ =	sdelay $0x1  }
0xab: {  	s0 =	simm.s32 $0x0;
	s31 =	sadd.s32 s5, s31  }
0xac: {  	[tilespmem:s0], [sflag:$0x1] =	stream.linear.gather [hbm4b:s31+s0], $0xFA00, $0x38;
	[tilespmem:$0x12D70] =	vst v63  }
0xad: {  	s30 =	smul.u32 $0xFA, s30;
	_ =	swait.ge [sflag:s19], $0xFA00  }
0xae: {  	[sflag:s19] =	ssyncset.done $0x0  }
0xaf: {  	s31 =	sadd.s32 s1, s30;
	[sflag:s19] =	ssyncadd.s32 $0xFFFF0600  }
0xb0: {  	[tilespmem:s20], [sflag:$0x3] =	stream.linear.gather [hbm4b:s31+s0], $0x7D0, $0x38;
	[tilespmem:$0x12D70] =	vst v63  }
0xb1: {  	_ =	swait.ge [sflag:s21], $0x7D0  }
0xb2: {  	[sflag:s21] =	ssyncset.done $0x0  }
0xb3: {  	s30 =	sadd.s32 s2, s30;
	[sflag:s21] =	ssyncadd.s32 $0xFFFFF830  }
0xb4: {  	[tilespmem:s22], [sflag:$0x3] =	stream.linear.gather [hbm4b:s30+s0], $0x7D0, $0x38;
	[tilespmem:$0x12D70] =	vst v63  }
0xb5: {  	_ =	swait.ge [sflag:s21], $0x7D0  }
0xb6: {  	[sflag:s21] =	ssyncset.done $0x0  }
0xb7: {  	s31 =	simm.s32 $0x40;
	s30 =	simm.s32 $0x0;
	[sflag:s21] =	ssyncadd.s32 $0xFFFFF830  }
.LBB2_8:
0xb8: {  	p2 =	sne.s32 s31, $0x1F00;
	v2 =	vld [tilespmem:s30+$0x101D0]  }
0xb9: {  	v3 =	vld [tilespmem:s30+$0xFA00];
	_ =	sdelay $0x3  }
0xba: {  	v2 =	vshll.u32 v2, $0x8  }
0xbb: {  	v2 =	vadd.s32 v3, v2  }
.Ltmp7:
0xbc: {  	(pc) =	sbr.rel @p2 .LBB2_8-.Ltmp7, $3  }
0xbd: {  	_ =	sdelay $0x1  }
0xbe: {  	[tilespmem:s30+$0x109A0] =	vst v2  }
0xbf: {  	s30 =	sshra.s32 s31, $0x2;
	s31 =	sadd.s32 $0x40, s31;
	[tilespmem:v2+s23+$0x0] =	vst.idx.add.f32.msk $0xffff, v1  }
0xc0: {  	v2 =	vld [tilespmem:s30+$0x101D0]  }
0xc1: {  	v3 =	vld [tilespmem:s30+$0xFA00];
	_ =	sdelay $0x3  }
0xc2: {  	v2 =	vshll.u32 v2, $0x8  }
0xc3: {  	v2 =	vadd.s32 v3, v2;
	_ =	sdelay $0x3  }
0xc4: {  	[tilespmem:s30+$0x109A0] =	vst v2  }
.Ltmp8:
0xc5: {  	[tilespmem:v2+s23+$0x0] =	vst.idx.add.f32.msk $0xffff, v1;
	(pc) =	sbr.rel .LBB2_10-.Ltmp8, $4  }
0xc6: {  	[spmem:s3] =	stream.indirect.scatter.add.f32 [tilespmem:s4], [sflag:$0x2], $0x20, s25, s24, $0xb8;
	[tilespmem:$0x12D70] =	vst v63  }
0xc7: {  	_ =	swait.ge [sflag:s18], $0xFA00  }
0xc8: {  	[sflag:s18] =	ssyncset.done $0x0  }
0xc9: {  	[sflag:s18] =	ssyncadd.s32 $0xFFFF0600  }
.LBB2_12:
0xca: {  	_ =	sfence.sel $0x180000  }
0xcb: {  	[bflag:$0x0] =	sbarrier.arrive $0xFFFF  }
0xcc: {  	_ =	strace $0x90000047  }
0xcd: {  	[bflag:$0x2] =	sbarrier.arrive $0xFFFF  }
0xce: {  	s0 =	rddreg [dreg:$0x4]  }
0xcf: {  	s0 =	sadd.s32 @!p1 $0x100000, s0  }
0xd0: {  	[sflag:s0] =	ssyncadd.tile.s32 @!p1 $0x1;
	_ =	shalt  }
.Lfunc_end2:
_tile_overlayer_lowered:
.L_overlay_start_2:
0xd1: {  	(tag) =	ssettag $0x2  }
0xd2: {  	s0 =	rddreg [dreg:$0x0];
	s2 =	stileid.u32  }
0xd3: {  	s1 =	rddreg [dreg:$0x1];
	p0 =	sne.s32 s2, $0x0  }
0xd4: {  	s3 =	rddreg [dreg:$0x2];
	[bflag:$0x3] =	sbarrier.arrive $0xFFFF;
	s2 =	simm.s32 @!p0 $0x1C02  }
0xd5: {  	[timem:s3], [sflag:s2] =	dma.local @!p0 [hbm:s0], s1  }
0xd6: {  	s0 =	simm.s32 @!p0 $0x2  }
0xd7: {  	_ =	swait.ge @!p0 [sflag:s0], s1  }
0xd8: {  	s1 =	ssub.s32 @!p0 $0x0, s1;
	[sflag:s0] =	ssyncset.done @!p0 $0x0  }
0xd9: {  	[sflag:s0] =	ssyncadd.s32 @!p0 s1  }
0xda: {  	[bflag:$0x3] =	sbarrier.arrive $0xFFFF  }
0xdb: {  	_ =	shalt  }

</sc_bundles>
